<compile_context>
chip_gen: v7x
topology: tpu7x:2x2x1
jax: 0.10.2.dev20260603
libtpu: 0.0.44.dev20260713+nightly
codegen_flags: <defaults>
</compile_context>

<pallas_src>
import functools

import jax
import jax.numpy as jnp
from jax import lax
from jax.experimental import pallas as pl
from jax.experimental.pallas import tpu as pltpu
from jax.experimental.pallas import tpu_sc as plsc

B = 16384
L = 50
D = 64
DP = D
LAM = 0.001

NC = 2
NS = 16
NW = NC * NS
U_PER_W = B // NW
CU = 8
ROWS = CU * L
CHUNKS = U_PER_W // CU
GSUB = 4
GLEN = ROWS // GSUB
PROWS_PW = U_PER_W * L // GLEN
GROUPS = (ROWS + 15) // 16
RPAD = GROUPS * 16

_mesh = plsc.VectorSubcoreMesh(core_axis_name="c", subcore_axis_name="s")


@functools.partial(
    pl.kernel,
    mesh=_mesh,
    compiler_params=pltpu.CompilerParams(
        needs_layout_passes=False, use_tc_tiling_on_sc=False),
    out_type=[
        jax.ShapeDtypeStruct((B * L,), jnp.float32),
        jax.ShapeDtypeStruct((NW, 16), jnp.float32),
    ],
    scratch_types=[
        pltpu.VMEM((PROWS_PW, GLEN), jnp.int32),
        pltpu.VMEM((2, CU, DP), jnp.float32),
        pltpu.VMEM((2, ROWS, DP), jnp.float32),
        pltpu.VMEM((RPAD * 16,), jnp.float32),
        pltpu.VMEM((RPAD,), jnp.float32),
        pltpu.VMEM((16,), jnp.float32),
        pltpu.SemaphoreType.DMA,
        pltpu.SemaphoreType.DMA,
        pltpu.SemaphoreType.DMA,
        pltpu.SemaphoreType.DMA,
    ],
)
def _score_kernel(pois_hbm, urows_hbm, iemb_hbm,
                  pred_hbm, part_hbm,
                  pidx, urows, prows, tacc, predv, accv,
                  sem_u0, sem_u1, sem_p0, sem_p1):
    wid = lax.axis_index("s") * NC + lax.axis_index("c")
    ubase = wid * U_PER_W

    pltpu.sync_copy(pois_hbm.at[pl.ds(wid * PROWS_PW, PROWS_PW)], pidx)

    sems_u = (sem_u0, sem_u1)
    sems_p = (sem_p0, sem_p1)

    def copies(ch, b):
        cp_u = pltpu.make_async_copy(
            urows_hbm.at[pl.ds(ubase + ch * CU, CU)], urows.at[b], sems_u[b])
        cps_p = [
            pltpu.make_async_copy(
                iemb_hbm.at[pidx.at[ch * GSUB + k]],
                prows.at[b].at[pl.ds(k * GLEN, GLEN)], sems_p[b])
            for k in range(GSUB)
        ]
        return [cp_u] + cps_p

    def fire(ch, b):
        for cp in copies(ch, b):
            cp.start()

    def drain(ch, b):
        for cp in copies(ch, b):
            cp.wait()

    iota16 = lax.iota(jnp.int32, 16) * 16
    zero16 = jnp.zeros((16,), jnp.float32)

    def compute(ch, b, acc_i, acc_u):
        ur = urows.at[b]
        pr = prows.at[b]

        def user_body(c, carry):
            accs, acc_u = carry
            uv0 = ur[c, pl.ds(0, 16)]
            uv1 = ur[c, pl.ds(16, 16)]
            uv2 = ur[c, pl.ds(32, 16)]
            uv3 = ur[c, pl.ds(48, 16)]
            acc_u = acc_u + ((uv0 * uv0 + uv1 * uv1) + (uv2 * uv2 + uv3 * uv3))

            @plsc.parallel_loop(0, L, unroll=10, carry=accs)
            def accs(l, accs):
                a0, a1, a2, a3 = accs
                r = c * L + l
                pv0 = pr[r, pl.ds(0, 16)]
                pv1 = pr[r, pl.ds(16, 16)]
                pv2 = pr[r, pl.ds(32, 16)]
                pv3 = pr[r, pl.ds(48, 16)]
                tacc[pl.ds(r * 16, 16)] = plsc.cumsum(
                    (uv0 * pv0 + uv1 * pv1) + (uv2 * pv2 + uv3 * pv3))
                a0 = a0 + ((pv0 * pv0 + pv1 * pv1) + (pv2 * pv2 + pv3 * pv3))
                return (a1, a2, a3, a0)

            return accs, acc_u

        (accs, acc_u) = lax.fori_loop(
            0, CU, user_body, ((acc_i, zero16, zero16, zero16), acc_u))
        acc_i = (accs[0] + accs[1]) + (accs[2] + accs[3])

        @plsc.parallel_loop(0, GROUPS, unroll=5)
        def _(g):
            s = plsc.load_gather(tacc, [g * 256 + iota16 + 15])
            predv[pl.ds(pl.multiple_of(g * 16, 16), 16)] = s

        pltpu.sync_copy(
            predv.at[pl.ds(0, ROWS)],
            pred_hbm.at[pl.ds((ubase + ch * CU) * L, ROWS)])
        return acc_i, acc_u

    fire(0, 0)

    def two_chunks(ch2, carry):
        acc_i, acc_u = carry
        for b in (0, 1):
            ch = ch2 * 2 + b

            @pl.when(ch + 1 < CHUNKS)
            def _():
                fire(ch + 1, 1 - b)

            drain(ch, b)
            acc_i, acc_u = compute(ch, b, acc_i, acc_u)
        return acc_i, acc_u

    zero = jnp.zeros((16,), jnp.float32)
    acc_i, acc_u = lax.fori_loop(0, CHUNKS // 2, two_chunks, (zero, zero))
    accv[...] = acc_i + jnp.float32(L) * acc_u
    pltpu.sync_copy(accv, part_hbm.at[wid])


def kernel(users, POIs, u_embeds, i_embeds):
    u_rows = u_embeds.at[users.reshape(-1)].get(mode='promise_in_bounds')
    pred_flat, partials = _score_kernel(
        POIs.reshape(B * L // GLEN, GLEN),
        u_rows,
        i_embeds,
    )
    pred = lax.optimization_barrier(pred_flat).reshape(B, L)
    l2_loss = jnp.sum(partials) / B
    reg_loss = LAM * l2_loss
    l2_loss_scaled = LAM * l2_loss
    return (pred, reg_loss, l2_loss, l2_loss_scaled)

# --- scband reference (transcript-rebuilt; emitter-appended) ---
"""Pipeline reference for scband-model-27865747817129 (READ-ONLY COPY).

The authoritative reference and input builder live on the scoring server;
editing this copy changes nothing except your own understanding.
"""

import jax, jax.numpy as jnp
import numpy as np

NUM_USER = 100000
NUM_ITEM = 100000
EMB_DIM = 64
LAM = 0.001
BATCH = 16384
HIST = 50

def _xavier_normal(key, shape):
    fan_in, fan_out = shape[0], shape[1]
    std = float(np.sqrt(2.0 / (fan_in + fan_out)))
    return jax.random.normal(key, shape, dtype=jnp.float32) * std

def setup_inputs(seed: int = 0) -> dict:
    key = jax.random.key(seed)
    k1, k2, k3, k4 = jax.random.split(key, 4)
    users = jax.random.randint(k1, (BATCH, 1), 0, NUM_USER, dtype=jnp.int32)
    POIs = jax.random.randint(k2, (BATCH, HIST), 0, NUM_ITEM, dtype=jnp.int32)
    u_embeds = _xavier_normal(k3, (NUM_USER, EMB_DIM))
    i_embeds = _xavier_normal(k4, (NUM_ITEM, EMB_DIM))
    return {"users": users, "POIs": POIs, "u_embeds": u_embeds, "i_embeds": i_embeds}

def reference(users, POIs, u_embeds, i_embeds):
    # propagate (base MF): raw embeddings are the processed embeddings
    users_feature, POIs_feature = u_embeds, i_embeds
    # gather: POIs_feature[POIs] -> [B, L, D]
    POIs_embedding = jnp.take(POIs_feature, POIs, axis=0)
    # users_feature[users] -> [B, 1, D], then expand to [B, L, D]
    users_embedding = jnp.broadcast_to(
        jnp.take(users_feature, users, axis=0),
        (users.shape[0], POIs.shape[1], users_feature.shape[1]),
    )
    # predict: dot product over last dim
    pred = jnp.sum(users_embedding * POIs_embedding, axis=-1)
    # regularize: L2 over the (expanded) batch embeddings
    batch_size = users_embedding.shape[0]
    l2_loss = (jnp.sum(users_embedding ** 2) + jnp.sum(POIs_embedding ** 2)) / batch_size
    reg_loss = LAM * l2_loss
    l2_loss_scaled = LAM * l2_loss
    return (pred, reg_loss, l2_loss, l2_loss_scaled)

if __name__ == "__main__":
    import jax
    _d = setup_inputs()
    print(jax.jit(kernel)(*tuple(_d.values())))

</pallas_src>

<mosaic_0001>
#map = affine_map<(d0, d1) -> (0, 0)>
#map1 = affine_map<(d0, d1) -> (0)>
module attributes {stable_mosaic.version = 14 : i64} {
  func.func @_score_kernel(%arg0: i32, %arg1: i32, %arg2: memref<8192x100xi32, #tpu.memory_space<hbm>>, %arg3: memref<16384x64xf32, #tpu.memory_space<hbm>>, %arg4: memref<100000x64xf32, #tpu.memory_space<hbm>>, %arg5: memref<819200xf32, #tpu.memory_space<hbm>>, %arg6: memref<32x16xf32, #tpu.memory_space<hbm>>, %arg7: memref<256x100xi32, #tpu.memory_space<vmem>>, %arg8: memref<2x8x64xf32, #tpu.memory_space<vmem>>, %arg9: memref<2x400x64xf32, #tpu.memory_space<vmem>>, %arg10: memref<6400xf32, #tpu.memory_space<vmem>>, %arg11: memref<400xf32, #tpu.memory_space<vmem>>, %arg12: memref<16xf32, #tpu.memory_space<vmem>>, %arg13: memref<!tpu.dma_semaphore, #tpu.memory_space<semaphore_mem>>, %arg14: memref<!tpu.dma_semaphore, #tpu.memory_space<semaphore_mem>>, %arg15: memref<!tpu.dma_semaphore, #tpu.memory_space<semaphore_mem>>, %arg16: memref<!tpu.dma_semaphore, #tpu.memory_space<semaphore_mem>>) attributes {dimension_semantics = [#tpu.dimension_semantics<core_parallel>, #tpu.dimension_semantics<subcore_parallel>], iteration_bounds = array<i64: 2, 16>, scalar_prefetch = 0 : i64, scratch_operands = 10 : i64, tpu.core_type = #tpu.core_type<sc_vector_subcore>, window_params = [{transform_indices = #map}, {transform_indices = #map}, {transform_indices = #map}, {transform_indices = #map1}, {transform_indices = #map}]} {
    %mul3A = arith.constant 2 : i32
    %mul3A_0 = arith.muli %arg1, %mul3A : i32
    %add3A = arith.addi %mul3A_0, %arg0 : i32
    %mul3A_1 = arith.constant 512 : i32
    %mul3A_2 = arith.muli %add3A, %mul3A_1 : i32
    %mul3A_3 = arith.constant 256 : i32
    %mul3A_4 = arith.muli %add3A, %mul3A_3 : i32
    "tpu.region"() ({
      %run_scoped3A = tpu.sem_alloc : memref<!tpu.dma_semaphore, #tpu.memory_space<semaphore_mem>>
      %dma_start3A_95 = arith.constant 0 : i32
      %dma_start3A_96 = tpu.memref_slice %arg2[%mul3A_4, %dma_start3A_95] : memref<8192x100xi32, #tpu.memory_space<hbm>> -> memref<256x100xi32, #tpu.memory_space<hbm>>
      %dma_start3A_97 = arith.constant 0 : i32
      %dma_start3A_98 = tpu.memref_slice %arg2[%mul3A_4, %dma_start3A_97] : memref<8192x100xi32, #tpu.memory_space<hbm>> -> memref<256x100xi32, #tpu.memory_space<hbm>>
      tpu.enqueue_dma source(%dma_start3A_98 : memref<256x100xi32, #tpu.memory_space<hbm>>) target(%arg7 : memref<256x100xi32, #tpu.memory_space<vmem>>) target_semaphore(%run_scoped3A : memref<!tpu.dma_semaphore, #tpu.memory_space<semaphore_mem>>)
      %dma_wait3A = arith.constant 0 : i32
      %dma_wait3A_99 = tpu.memref_slice %arg2[%mul3A_4, %dma_wait3A] : memref<8192x100xi32, #tpu.memory_space<hbm>> -> memref<256x100xi32, #tpu.memory_space<hbm>>
      %dma_wait3A_100 = arith.constant 0 : i32
      %dma_wait3A_101 = tpu.memref_slice %arg2[%mul3A_4, %dma_wait3A_100] : memref<8192x100xi32, #tpu.memory_space<hbm>> -> memref<256x100xi32, #tpu.memory_space<hbm>>
      tpu.wait_dma2 semaphore(%run_scoped3A : memref<!tpu.dma_semaphore, #tpu.memory_space<semaphore_mem>>) src(%dma_wait3A_101 : memref<256x100xi32, #tpu.memory_space<hbm>>) dst(%arg7 : memref<256x100xi32, #tpu.memory_space<vmem>>)
      tpu.yield
    }) : () -> ()
    %iota3A = tpu.iota {dimensions = array<i32: 0>} : vector<16xi32>
    %mul3A_5 = arith.constant 16 : i32
    %mul3A_6 = vector.broadcast %mul3A_5 : i32 to vector<16xi32>
    %mul3A_7 = arith.muli %iota3A, %mul3A_6 : vector<16xi32>
    %broadcast_in_dim3A = arith.constant 0.000000e+00 : f32
    %broadcast_in_dim3A_8 = vector.broadcast %broadcast_in_dim3A : f32 to vector<16xf32>
    %add3A_9 = arith.constant 0 : i32
    %add3A_10 = arith.addi %mul3A_2, %add3A_9 : i32
    %dma_start3A = arith.constant 0 : i32
    %dma_start3A_11 = arith.constant 0 : i32
    %dma_start3A_12 = arith.constant 0 : i32
    %dma_start3A_13 = tpu.memref_slice %arg8[%dma_start3A, %dma_start3A_11, %dma_start3A_12] : memref<2x8x64xf32, #tpu.memory_space<vmem>> -> memref<1x8x64xf32, #tpu.memory_space<vmem>>
    %dma_start3A_14 = tpu.memref_squeeze %dma_start3A_13 : memref<1x8x64xf32, #tpu.memory_space<vmem>> -> memref<8x64xf32, #tpu.memory_space<vmem>>
    %dma_start3A_15 = arith.constant 0 : i32
    %dma_start3A_16 = tpu.memref_slice %arg3[%add3A_10, %dma_start3A_15] : memref<16384x64xf32, #tpu.memory_space<hbm>> -> memref<8x64xf32, #tpu.memory_space<hbm>>
    %dma_start3A_17 = arith.constant 0 : i32
    %dma_start3A_18 = arith.constant 0 : i32
    %dma_start3A_19 = tpu.memref_slice %arg8[%dma_start3A, %dma_start3A_17, %dma_start3A_18] : memref<2x8x64xf32, #tpu.memory_space<vmem>> -> memref<1x8x64xf32, #tpu.memory_space<vmem>>
    %dma_start3A_20 = tpu.memref_squeeze %dma_start3A_19 : memref<1x8x64xf32, #tpu.memory_space<vmem>> -> memref<8x64xf32, #tpu.memory_space<vmem>>
    %dma_start3A_21 = arith.constant 0 : i32
    %dma_start3A_22 = tpu.memref_slice %arg3[%add3A_10, %dma_start3A_21] : memref<16384x64xf32, #tpu.memory_space<hbm>> -> memref<8x64xf32, #tpu.memory_space<hbm>>
    tpu.enqueue_dma source(%dma_start3A_22 : memref<8x64xf32, #tpu.memory_space<hbm>>) target(%dma_start3A_20 : memref<8x64xf32, #tpu.memory_space<vmem>>) target_semaphore(%arg13 : memref<!tpu.dma_semaphore, #tpu.memory_space<semaphore_mem>>)
    %dma_start3A_23 = arith.constant 0 : i32
    %dma_start3A_24 = arith.constant 0 : i32
    %dma_start3A_25 = arith.constant 0 : i32
    %dma_start3A_26 = arith.constant 0 : i32
    %dma_start3A_27 = tpu.memref_slice %arg9[%dma_start3A_24, %dma_start3A_25, %dma_start3A_26] : memref<2x400x64xf32, #tpu.memory_space<vmem>> -> memref<1x400x64xf32, #tpu.memory_space<vmem>>
    %dma_start3A_28 = tpu.memref_squeeze %dma_start3A_27 : memref<1x400x64xf32, #tpu.memory_space<vmem>> -> memref<400x64xf32, #tpu.memory_space<vmem>>
    %dma_start3A_29 = arith.constant 0 : i32
    %dma_start3A_30 = arith.constant 0 : i32
    %dma_start3A_31 = tpu.memref_slice %dma_start3A_28[%dma_start3A_29, %dma_start3A_30] : memref<400x64xf32, #tpu.memory_space<vmem>> -> memref<100x64xf32, #tpu.memory_space<vmem>>
    %dma_start3A_32 = arith.constant 0 : i32
    %dma_start3A_33 = tpu.memref_slice %arg7[%dma_start3A_23, %dma_start3A_32] : memref<256x100xi32, #tpu.memory_space<vmem>> -> memref<1x100xi32, #tpu.memory_space<vmem>>
    %dma_start3A_34 = tpu.memref_squeeze %dma_start3A_33 : memref<1x100xi32, #tpu.memory_space<vmem>> -> memref<100xi32, #tpu.memory_space<vmem>>
    %dma_start3A_35 = arith.constant 0 : i32
    %dma_start3A_36 = arith.constant 0 : i32
    %dma_start3A_37 = tpu.memref_slice %arg4[%dma_start3A_35, %dma_start3A_36] : memref<100000x64xf32, #tpu.memory_space<hbm>> -> memref<100000x64xf32, #tpu.memory_space<hbm>>
    tpu.enqueue_indirect_dma source(%dma_start3A_37 : memref<100000x64xf32, #tpu.memory_space<hbm>>) target(%dma_start3A_31 : memref<100x64xf32, #tpu.memory_space<vmem>>) offsets(%dma_start3A_34 : memref<100xi32, #tpu.memory_space<vmem>>) semaphore(%arg15 : memref<!tpu.dma_semaphore, #tpu.memory_space<semaphore_mem>>)
    %dma_start3A_38 = arith.constant 1 : i32
    %dma_start3A_39 = arith.constant 0 : i32
    %dma_start3A_40 = arith.constant 0 : i32
    %dma_start3A_41 = arith.constant 0 : i32
    %dma_start3A_42 = tpu.memref_slice %arg9[%dma_start3A_39, %dma_start3A_40, %dma_start3A_41] : memref<2x400x64xf32, #tpu.memory_space<vmem>> -> memref<1x400x64xf32, #tpu.memory_space<vmem>>
    %dma_start3A_43 = tpu.memref_squeeze %dma_start3A_42 : memref<1x400x64xf32, #tpu.memory_space<vmem>> -> memref<400x64xf32, #tpu.memory_space<vmem>>
    %dma_start3A_44 = arith.constant 100 : i32
    %dma_start3A_45 = arith.constant 0 : i32
    %dma_start3A_46 = tpu.memref_slice %dma_start3A_43[%dma_start3A_44, %dma_start3A_45] : memref<400x64xf32, #tpu.memory_space<vmem>> -> memref<100x64xf32, #tpu.memory_space<vmem>>
    %dma_start3A_47 = arith.constant 0 : i32
    %dma_start3A_48 = tpu.memref_slice %arg7[%dma_start3A_38, %dma_start3A_47] : memref<256x100xi32, #tpu.memory_space<vmem>> -> memref<1x100xi32, #tpu.memory_space<vmem>>
    %dma_start3A_49 = tpu.memref_squeeze %dma_start3A_48 : memref<1x100xi32, #tpu.memory_space<vmem>> -> memref<100xi32, #tpu.memory_space<vmem>>
    %dma_start3A_50 = arith.constant 0 : i32
    %dma_start3A_51 = arith.constant 0 : i32
    %dma_start3A_52 = tpu.memref_slice %arg4[%dma_start3A_50, %dma_start3A_51] : memref<100000x64xf32, #tpu.memory_space<hbm>> -> memref<100000x64xf32, #tpu.memory_space<hbm>>
    tpu.enqueue_indirect_dma source(%dma_start3A_52 : memref<100000x64xf32, #tpu.memory_space<hbm>>) target(%dma_start3A_46 : memref<100x64xf32, #tpu.memory_space<vmem>>) offsets(%dma_start3A_49 : memref<100xi32, #tpu.memory_space<vmem>>) semaphore(%arg15 : memref<!tpu.dma_semaphore, #tpu.memory_space<semaphore_mem>>)
    %dma_start3A_53 = arith.constant 2 : i32
    %dma_start3A_54 = arith.constant 0 : i32
    %dma_start3A_55 = arith.constant 0 : i32
    %dma_start3A_56 = arith.constant 0 : i32
    %dma_start3A_57 = tpu.memref_slice %arg9[%dma_start3A_54, %dma_start3A_55, %dma_start3A_56] : memref<2x400x64xf32, #tpu.memory_space<vmem>> -> memref<1x400x64xf32, #tpu.memory_space<vmem>>
    %dma_start3A_58 = tpu.memref_squeeze %dma_start3A_57 : memref<1x400x64xf32, #tpu.memory_space<vmem>> -> memref<400x64xf32, #tpu.memory_space<vmem>>
    %dma_start3A_59 = arith.constant 200 : i32
    %dma_start3A_60 = arith.constant 0 : i32
    %dma_start3A_61 = tpu.memref_slice %dma_start3A_58[%dma_start3A_59, %dma_start3A_60] : memref<400x64xf32, #tpu.memory_space<vmem>> -> memref<100x64xf32, #tpu.memory_space<vmem>>
    %dma_start3A_62 = arith.constant 0 : i32
    %dma_start3A_63 = tpu.memref_slice %arg7[%dma_start3A_53, %dma_start3A_62] : memref<256x100xi32, #tpu.memory_space<vmem>> -> memref<1x100xi32, #tpu.memory_space<vmem>>
    %dma_start3A_64 = tpu.memref_squeeze %dma_start3A_63 : memref<1x100xi32, #tpu.memory_space<vmem>> -> memref<100xi32, #tpu.memory_space<vmem>>
    %dma_start3A_65 = arith.constant 0 : i32
    %dma_start3A_66 = arith.constant 0 : i32
    %dma_start3A_67 = tpu.memref_slice %arg4[%dma_start3A_65, %dma_start3A_66] : memref<100000x64xf32, #tpu.memory_space<hbm>> -> memref<100000x64xf32, #tpu.memory_space<hbm>>
    tpu.enqueue_indirect_dma source(%dma_start3A_67 : memref<100000x64xf32, #tpu.memory_space<hbm>>) target(%dma_start3A_61 : memref<100x64xf32, #tpu.memory_space<vmem>>) offsets(%dma_start3A_64 : memref<100xi32, #tpu.memory_space<vmem>>) semaphore(%arg15 : memref<!tpu.dma_semaphore, #tpu.memory_space<semaphore_mem>>)
    %dma_start3A_68 = arith.constant 3 : i32
    %dma_start3A_69 = arith.constant 0 : i32
    %dma_start3A_70 = arith.constant 0 : i32
    %dma_start3A_71 = arith.constant 0 : i32
    %dma_start3A_72 = tpu.memref_slice %arg9[%dma_start3A_69, %dma_start3A_70, %dma_start3A_71] : memref<2x400x64xf32, #tpu.memory_space<vmem>> -> memref<1x400x64xf32, #tpu.memory_space<vmem>>
    %dma_start3A_73 = tpu.memref_squeeze %dma_start3A_72 : memref<1x400x64xf32, #tpu.memory_space<vmem>> -> memref<400x64xf32, #tpu.memory_space<vmem>>
    %dma_start3A_74 = arith.constant 300 : i32
    %dma_start3A_75 = arith.constant 0 : i32
    %dma_start3A_76 = tpu.memref_slice %dma_start3A_73[%dma_start3A_74, %dma_start3A_75] : memref<400x64xf32, #tpu.memory_space<vmem>> -> memref<100x64xf32, #tpu.memory_space<vmem>>
    %dma_start3A_77 = arith.constant 0 : i32
    %dma_start3A_78 = tpu.memref_slice %arg7[%dma_start3A_68, %dma_start3A_77] : memref<256x100xi32, #tpu.memory_space<vmem>> -> memref<1x100xi32, #tpu.memory_space<vmem>>
    %dma_start3A_79 = tpu.memref_squeeze %dma_start3A_78 : memref<1x100xi32, #tpu.memory_space<vmem>> -> memref<100xi32, #tpu.memory_space<vmem>>
    %dma_start3A_80 = arith.constant 0 : i32
    %dma_start3A_81 = arith.constant 0 : i32
    %dma_start3A_82 = tpu.memref_slice %arg4[%dma_start3A_80, %dma_start3A_81] : memref<100000x64xf32, #tpu.memory_space<hbm>> -> memref<100000x64xf32, #tpu.memory_space<hbm>>
    tpu.enqueue_indirect_dma source(%dma_start3A_82 : memref<100000x64xf32, #tpu.memory_space<hbm>>) target(%dma_start3A_76 : memref<100x64xf32, #tpu.memory_space<vmem>>) offsets(%dma_start3A_79 : memref<100xi32, #tpu.memory_space<vmem>>) semaphore(%arg15 : memref<!tpu.dma_semaphore, #tpu.memory_space<semaphore_mem>>)
    %broadcast_in_dim3A_83 = arith.constant 0.000000e+00 : f32
    %broadcast_in_dim3A_84 = vector.broadcast %broadcast_in_dim3A_83 : f32 to vector<16xf32>
    %scan3A = arith.constant 0 : i32
    %scan3A_85 = arith.constant 32 : i32
    %scan3A_86 = arith.addi %scan3A, %scan3A_85 : i32
    %scan3A_87 = arith.constant 1 : i32
    %scan3A_88:2 = scf.for %scan3A_95 = %scan3A to %scan3A_86 step %scan3A_87 iter_args(%scan3A_96 = %broadcast_in_dim3A_84, %scan3A_97 = %broadcast_in_dim3A_84) -> (vector<16xf32>, vector<16xf32>)  : i32 {
      %mul3A_98 = arith.constant 2 : i32
      %mul3A_99 = arith.muli %scan3A_95, %mul3A_98 : i32
      %add3A_100 = arith.constant 0 : i32
      %add3A_101 = arith.addi %mul3A_99, %add3A_100 : i32
      %add3A_102 = arith.constant 1 : i32
      %add3A_103 = arith.addi %add3A_101, %add3A_102 : i32
      %lt3A = arith.constant 64 : i32
      %lt3A_104 = arith.cmpi slt, %add3A_103, %lt3A : i32
      %convert_element_type3A = arith.extui %lt3A_104 : i1 to i32
      %cond3A = arith.constant 0 : i32
      %cond3A_105 = arith.cmpi ne, %convert_element_type3A, %cond3A : i32
      scf.if %cond3A_105 {
        %add3A_329 = arith.constant 1 : i32
        %add3A_330 = arith.addi %add3A_101, %add3A_329 : i32
        %mul3A_331 = arith.constant 8 : i32
        %mul3A_332 = arith.muli %add3A_330, %mul3A_331 : i32
        %add3A_333 = arith.addi %mul3A_2, %mul3A_332 : i32
        %mul3A_334 = arith.constant 4 : i32
        %mul3A_335 = arith.muli %add3A_330, %mul3A_334 : i32
        %add3A_336 = arith.constant 0 : i32
        %add3A_337 = arith.addi %mul3A_335, %add3A_336 : i32
        %mul3A_338 = arith.constant 4 : i32
        %mul3A_339 = arith.muli %add3A_330, %mul3A_338 : i32
        %add3A_340 = arith.constant 1 : i32
        %add3A_341 = arith.addi %mul3A_339, %add3A_340 : i32
        %mul3A_342 = arith.constant 4 : i32
        %mul3A_343 = arith.muli %add3A_330, %mul3A_342 : i32
        %add3A_344 = arith.constant 2 : i32
        %add3A_345 = arith.addi %mul3A_343, %add3A_344 : i32
        %mul3A_346 = arith.constant 4 : i32
        %mul3A_347 = arith.muli %add3A_330, %mul3A_346 : i32
        %add3A_348 = arith.constant 3 : i32
        %add3A_349 = arith.addi %mul3A_347, %add3A_348 : i32
        %dma_start3A_350 = arith.constant 1 : i32
        %dma_start3A_351 = arith.constant 0 : i32
        %dma_start3A_352 = arith.constant 0 : i32
        %dma_start3A_353 = tpu.memref_slice %arg8[%dma_start3A_350, %dma_start3A_351, %dma_start3A_352] : memref<2x8x64xf32, #tpu.memory_space<vmem>> -> memref<1x8x64xf32, #tpu.memory_space<vmem>>
        %dma_start3A_354 = tpu.memref_squeeze %dma_start3A_353 : memref<1x8x64xf32, #tpu.memory_space<vmem>> -> memref<8x64xf32, #tpu.memory_space<vmem>>
        %dma_start3A_355 = arith.constant 0 : i32
        %dma_start3A_356 = tpu.memref_slice %arg3[%add3A_333, %dma_start3A_355] : memref<16384x64xf32, #tpu.memory_space<hbm>> -> memref<8x64xf32, #tpu.memory_space<hbm>>
        %dma_start3A_357 = arith.constant 0 : i32
        %dma_start3A_358 = arith.constant 0 : i32
        %dma_start3A_359 = tpu.memref_slice %arg8[%dma_start3A_350, %dma_start3A_357, %dma_start3A_358] : memref<2x8x64xf32, #tpu.memory_space<vmem>> -> memref<1x8x64xf32, #tpu.memory_space<vmem>>
        %dma_start3A_360 = tpu.memref_squeeze %dma_start3A_359 : memref<1x8x64xf32, #tpu.memory_space<vmem>> -> memref<8x64xf32, #tpu.memory_space<vmem>>
        %dma_start3A_361 = arith.constant 0 : i32
        %dma_start3A_362 = tpu.memref_slice %arg3[%add3A_333, %dma_start3A_361] : memref<16384x64xf32, #tpu.memory_space<hbm>> -> memref<8x64xf32, #tpu.memory_space<hbm>>
        tpu.enqueue_dma source(%dma_start3A_362 : memref<8x64xf32, #tpu.memory_space<hbm>>) target(%dma_start3A_360 : memref<8x64xf32, #tpu.memory_space<vmem>>) target_semaphore(%arg14 : memref<!tpu.dma_semaphore, #tpu.memory_space<semaphore_mem>>)
        %dma_start3A_363 = arith.constant 1 : i32
        %dma_start3A_364 = arith.constant 0 : i32
        %dma_start3A_365 = arith.constant 0 : i32
        %dma_start3A_366 = tpu.memref_slice %arg9[%dma_start3A_363, %dma_start3A_364, %dma_start3A_365] : memref<2x400x64xf32, #tpu.memory_space<vmem>> -> memref<1x400x64xf32, #tpu.memory_space<vmem>>
        %dma_start3A_367 = tpu.memref_squeeze %dma_start3A_366 : memref<1x400x64xf32, #tpu.memory_space<vmem>> -> memref<400x64xf32, #tpu.memory_space<vmem>>
        %dma_start3A_368 = arith.constant 0 : i32
        %dma_start3A_369 = arith.constant 0 : i32
        %dma_start3A_370 = tpu.memref_slice %dma_start3A_367[%dma_start3A_368, %dma_start3A_369] : memref<400x64xf32, #tpu.memory_space<vmem>> -> memref<100x64xf32, #tpu.memory_space<vmem>>
        %dma_start3A_371 = arith.constant 0 : i32
        %dma_start3A_372 = tpu.memref_slice %arg7[%add3A_337, %dma_start3A_371] : memref<256x100xi32, #tpu.memory_space<vmem>> -> memref<1x100xi32, #tpu.memory_space<vmem>>
        %dma_start3A_373 = tpu.memref_squeeze %dma_start3A_372 : memref<1x100xi32, #tpu.memory_space<vmem>> -> memref<100xi32, #tpu.memory_space<vmem>>
        %dma_start3A_374 = arith.constant 0 : i32
        %dma_start3A_375 = arith.constant 0 : i32
        %dma_start3A_376 = tpu.memref_slice %arg4[%dma_start3A_374, %dma_start3A_375] : memref<100000x64xf32, #tpu.memory_space<hbm>> -> memref<100000x64xf32, #tpu.memory_space<hbm>>
        tpu.enqueue_indirect_dma source(%dma_start3A_376 : memref<100000x64xf32, #tpu.memory_space<hbm>>) target(%dma_start3A_370 : memref<100x64xf32, #tpu.memory_space<vmem>>) offsets(%dma_start3A_373 : memref<100xi32, #tpu.memory_space<vmem>>) semaphore(%arg16 : memref<!tpu.dma_semaphore, #tpu.memory_space<semaphore_mem>>)
        %dma_start3A_377 = arith.constant 1 : i32
        %dma_start3A_378 = arith.constant 0 : i32
        %dma_start3A_379 = arith.constant 0 : i32
        %dma_start3A_380 = tpu.memref_slice %arg9[%dma_start3A_377, %dma_start3A_378, %dma_start3A_379] : memref<2x400x64xf32, #tpu.memory_space<vmem>> -> memref<1x400x64xf32, #tpu.memory_space<vmem>>
        %dma_start3A_381 = tpu.memref_squeeze %dma_start3A_380 : memref<1x400x64xf32, #tpu.memory_space<vmem>> -> memref<400x64xf32, #tpu.memory_space<vmem>>
        %dma_start3A_382 = arith.constant 100 : i32
        %dma_start3A_383 = arith.constant 0 : i32
        %dma_start3A_384 = tpu.memref_slice %dma_start3A_381[%dma_start3A_382, %dma_start3A_383] : memref<400x64xf32, #tpu.memory_space<vmem>> -> memref<100x64xf32, #tpu.memory_space<vmem>>
        %dma_start3A_385 = arith.constant 0 : i32
        %dma_start3A_386 = tpu.memref_slice %arg7[%add3A_341, %dma_start3A_385] : memref<256x100xi32, #tpu.memory_space<vmem>> -> memref<1x100xi32, #tpu.memory_space<vmem>>
        %dma_start3A_387 = tpu.memref_squeeze %dma_start3A_386 : memref<1x100xi32, #tpu.memory_space<vmem>> -> memref<100xi32, #tpu.memory_space<vmem>>
        %dma_start3A_388 = arith.constant 0 : i32
        %dma_start3A_389 = arith.constant 0 : i32
        %dma_start3A_390 = tpu.memref_slice %arg4[%dma_start3A_388, %dma_start3A_389] : memref<100000x64xf32, #tpu.memory_space<hbm>> -> memref<100000x64xf32, #tpu.memory_space<hbm>>
        tpu.enqueue_indirect_dma source(%dma_start3A_390 : memref<100000x64xf32, #tpu.memory_space<hbm>>) target(%dma_start3A_384 : memref<100x64xf32, #tpu.memory_space<vmem>>) offsets(%dma_start3A_387 : memref<100xi32, #tpu.memory_space<vmem>>) semaphore(%arg16 : memref<!tpu.dma_semaphore, #tpu.memory_space<semaphore_mem>>)
        %dma_start3A_391 = arith.constant 1 : i32
        %dma_start3A_392 = arith.constant 0 : i32
        %dma_start3A_393 = arith.constant 0 : i32
        %dma_start3A_394 = tpu.memref_slice %arg9[%dma_start3A_391, %dma_start3A_392, %dma_start3A_393] : memref<2x400x64xf32, #tpu.memory_space<vmem>> -> memref<1x400x64xf32, #tpu.memory_space<vmem>>
        %dma_start3A_395 = tpu.memref_squeeze %dma_start3A_394 : memref<1x400x64xf32, #tpu.memory_space<vmem>> -> memref<400x64xf32, #tpu.memory_space<vmem>>
        %dma_start3A_396 = arith.constant 200 : i32
        %dma_start3A_397 = arith.constant 0 : i32
        %dma_start3A_398 = tpu.memref_slice %dma_start3A_395[%dma_start3A_396, %dma_start3A_397] : memref<400x64xf32, #tpu.memory_space<vmem>> -> memref<100x64xf32, #tpu.memory_space<vmem>>
        %dma_start3A_399 = arith.constant 0 : i32
        %dma_start3A_400 = tpu.memref_slice %arg7[%add3A_345, %dma_start3A_399] : memref<256x100xi32, #tpu.memory_space<vmem>> -> memref<1x100xi32, #tpu.memory_space<vmem>>
        %dma_start3A_401 = tpu.memref_squeeze %dma_start3A_400 : memref<1x100xi32, #tpu.memory_space<vmem>> -> memref<100xi32, #tpu.memory_space<vmem>>
        %dma_start3A_402 = arith.constant 0 : i32
        %dma_start3A_403 = arith.constant 0 : i32
        %dma_start3A_404 = tpu.memref_slice %arg4[%dma_start3A_402, %dma_start3A_403] : memref<100000x64xf32, #tpu.memory_space<hbm>> -> memref<100000x64xf32, #tpu.memory_space<hbm>>
        tpu.enqueue_indirect_dma source(%dma_start3A_404 : memref<100000x64xf32, #tpu.memory_space<hbm>>) target(%dma_start3A_398 : memref<100x64xf32, #tpu.memory_space<vmem>>) offsets(%dma_start3A_401 : memref<100xi32, #tpu.memory_space<vmem>>) semaphore(%arg16 : memref<!tpu.dma_semaphore, #tpu.memory_space<semaphore_mem>>)
        %dma_start3A_405 = arith.constant 1 : i32
        %dma_start3A_406 = arith.constant 0 : i32
        %dma_start3A_407 = arith.constant 0 : i32
        %dma_start3A_408 = tpu.memref_slice %arg9[%dma_start3A_405, %dma_start3A_406, %dma_start3A_407] : memref<2x400x64xf32, #tpu.memory_space<vmem>> -> memref<1x400x64xf32, #tpu.memory_space<vmem>>
        %dma_start3A_409 = tpu.memref_squeeze %dma_start3A_408 : memref<1x400x64xf32, #tpu.memory_space<vmem>> -> memref<400x64xf32, #tpu.memory_space<vmem>>
        %dma_start3A_410 = arith.constant 300 : i32
        %dma_start3A_411 = arith.constant 0 : i32
        %dma_start3A_412 = tpu.memref_slice %dma_start3A_409[%dma_start3A_410, %dma_start3A_411] : memref<400x64xf32, #tpu.memory_space<vmem>> -> memref<100x64xf32, #tpu.memory_space<vmem>>
        %dma_start3A_413 = arith.constant 0 : i32
        %dma_start3A_414 = tpu.memref_slice %arg7[%add3A_349, %dma_start3A_413] : memref<256x100xi32, #tpu.memory_space<vmem>> -> memref<1x100xi32, #tpu.memory_space<vmem>>
        %dma_start3A_415 = tpu.memref_squeeze %dma_start3A_414 : memref<1x100xi32, #tpu.memory_space<vmem>> -> memref<100xi32, #tpu.memory_space<vmem>>
        %dma_start3A_416 = arith.constant 0 : i32
        %dma_start3A_417 = arith.constant 0 : i32
        %dma_start3A_418 = tpu.memref_slice %arg4[%dma_start3A_416, %dma_start3A_417] : memref<100000x64xf32, #tpu.memory_space<hbm>> -> memref<100000x64xf32, #tpu.memory_space<hbm>>
        tpu.enqueue_indirect_dma source(%dma_start3A_418 : memref<100000x64xf32, #tpu.memory_space<hbm>>) target(%dma_start3A_412 : memref<100x64xf32, #tpu.memory_space<vmem>>) offsets(%dma_start3A_415 : memref<100xi32, #tpu.memory_space<vmem>>) semaphore(%arg16 : memref<!tpu.dma_semaphore, #tpu.memory_space<semaphore_mem>>)
      } else {
      }
      %mul3A_106 = arith.constant 8 : i32
      %mul3A_107 = arith.muli %add3A_101, %mul3A_106 : i32
      %add3A_108 = arith.addi %mul3A_2, %mul3A_107 : i32
      %mul3A_109 = arith.constant 4 : i32
      %mul3A_110 = arith.muli %add3A_101, %mul3A_109 : i32
      %add3A_111 = arith.constant 0 : i32
      %add3A_112 = arith.addi %mul3A_110, %add3A_111 : i32
      %mul3A_113 = arith.constant 4 : i32
      %mul3A_114 = arith.muli %add3A_101, %mul3A_113 : i32
      %add3A_115 = arith.constant 1 : i32
      %add3A_116 = arith.addi %mul3A_114, %add3A_115 : i32
      %mul3A_117 = arith.constant 4 : i32
      %mul3A_118 = arith.muli %add3A_101, %mul3A_117 : i32
      %add3A_119 = arith.constant 2 : i32
      %add3A_120 = arith.addi %mul3A_118, %add3A_119 : i32
      %mul3A_121 = arith.constant 4 : i32
      %mul3A_122 = arith.muli %add3A_101, %mul3A_121 : i32
      %add3A_123 = arith.constant 3 : i32
      %add3A_124 = arith.addi %mul3A_122, %add3A_123 : i32
      %dma_wait3A = arith.constant 0 : i32
      %dma_wait3A_125 = arith.constant 0 : i32
      %dma_wait3A_126 = arith.constant 0 : i32
      %dma_wait3A_127 = tpu.memref_slice %arg8[%dma_wait3A, %dma_wait3A_125, %dma_wait3A_126] : memref<2x8x64xf32, #tpu.memory_space<vmem>> -> memref<1x8x64xf32, #tpu.memory_space<vmem>>
      %dma_wait3A_128 = tpu.memref_squeeze %dma_wait3A_127 : memref<1x8x64xf32, #tpu.memory_space<vmem>> -> memref<8x64xf32, #tpu.memory_space<vmem>>
      %dma_wait3A_129 = arith.constant 0 : i32
      %dma_wait3A_130 = tpu.memref_slice %arg3[%add3A_108, %dma_wait3A_129] : memref<16384x64xf32, #tpu.memory_space<hbm>> -> memref<8x64xf32, #tpu.memory_space<hbm>>
      %dma_wait3A_131 = arith.constant 0 : i32
      %dma_wait3A_132 = arith.constant 0 : i32
      %dma_wait3A_133 = tpu.memref_slice %arg8[%dma_wait3A, %dma_wait3A_131, %dma_wait3A_132] : memref<2x8x64xf32, #tpu.memory_space<vmem>> -> memref<1x8x64xf32, #tpu.memory_space<vmem>>
      %dma_wait3A_134 = tpu.memref_squeeze %dma_wait3A_133 : memref<1x8x64xf32, #tpu.memory_space<vmem>> -> memref<8x64xf32, #tpu.memory_space<vmem>>
      %dma_wait3A_135 = arith.constant 0 : i32
      %dma_wait3A_136 = tpu.memref_slice %arg3[%add3A_108, %dma_wait3A_135] : memref<16384x64xf32, #tpu.memory_space<hbm>> -> memref<8x64xf32, #tpu.memory_space<hbm>>
      tpu.wait_dma2 semaphore(%arg13 : memref<!tpu.dma_semaphore, #tpu.memory_space<semaphore_mem>>) src(%dma_wait3A_136 : memref<8x64xf32, #tpu.memory_space<hbm>>) dst(%dma_wait3A_134 : memref<8x64xf32, #tpu.memory_space<vmem>>)
      %dma_wait3A_137 = arith.constant 0 : i32
      %dma_wait3A_138 = arith.constant 0 : i32
      %dma_wait3A_139 = arith.constant 0 : i32
      %dma_wait3A_140 = tpu.memref_slice %arg9[%dma_wait3A_137, %dma_wait3A_138, %dma_wait3A_139] : memref<2x400x64xf32, #tpu.memory_space<vmem>> -> memref<1x400x64xf32, #tpu.memory_space<vmem>>
      %dma_wait3A_141 = tpu.memref_squeeze %dma_wait3A_140 : memref<1x400x64xf32, #tpu.memory_space<vmem>> -> memref<400x64xf32, #tpu.memory_space<vmem>>
      %dma_wait3A_142 = arith.constant 0 : i32
      %dma_wait3A_143 = arith.constant 0 : i32
      %dma_wait3A_144 = tpu.memref_slice %dma_wait3A_141[%dma_wait3A_142, %dma_wait3A_143] : memref<400x64xf32, #tpu.memory_space<vmem>> -> memref<100x64xf32, #tpu.memory_space<vmem>>
      %dma_wait3A_145 = arith.constant 0 : i32
      %dma_wait3A_146 = tpu.memref_slice %arg7[%add3A_112, %dma_wait3A_145] : memref<256x100xi32, #tpu.memory_space<vmem>> -> memref<1x100xi32, #tpu.memory_space<vmem>>
      %dma_wait3A_147 = tpu.memref_squeeze %dma_wait3A_146 : memref<1x100xi32, #tpu.memory_space<vmem>> -> memref<100xi32, #tpu.memory_space<vmem>>
      %dma_wait3A_148 = arith.constant 0 : i32
      %dma_wait3A_149 = arith.constant 0 : i32
      %dma_wait3A_150 = tpu.memref_slice %arg4[%dma_wait3A_148, %dma_wait3A_149] : memref<100000x64xf32, #tpu.memory_space<hbm>> -> memref<100000x64xf32, #tpu.memory_space<hbm>>
      tpu.wait_indirect_dma semaphore(%arg15 : memref<!tpu.dma_semaphore, #tpu.memory_space<semaphore_mem>>) src(%dma_wait3A_150 : memref<100000x64xf32, #tpu.memory_space<hbm>>) dst(%dma_wait3A_144 : memref<100x64xf32, #tpu.memory_space<vmem>>)
      %dma_wait3A_151 = arith.constant 0 : i32
      %dma_wait3A_152 = arith.constant 0 : i32
      %dma_wait3A_153 = arith.constant 0 : i32
      %dma_wait3A_154 = tpu.memref_slice %arg9[%dma_wait3A_151, %dma_wait3A_152, %dma_wait3A_153] : memref<2x400x64xf32, #tpu.memory_space<vmem>> -> memref<1x400x64xf32, #tpu.memory_space<vmem>>
      %dma_wait3A_155 = tpu.memref_squeeze %dma_wait3A_154 : memref<1x400x64xf32, #tpu.memory_space<vmem>> -> memref<400x64xf32, #tpu.memory_space<vmem>>
      %dma_wait3A_156 = arith.constant 100 : i32
      %dma_wait3A_157 = arith.constant 0 : i32
      %dma_wait3A_158 = tpu.memref_slice %dma_wait3A_155[%dma_wait3A_156, %dma_wait3A_157] : memref<400x64xf32, #tpu.memory_space<vmem>> -> memref<100x64xf32, #tpu.memory_space<vmem>>
      %dma_wait3A_159 = arith.constant 0 : i32
      %dma_wait3A_160 = tpu.memref_slice %arg7[%add3A_116, %dma_wait3A_159] : memref<256x100xi32, #tpu.memory_space<vmem>> -> memref<1x100xi32, #tpu.memory_space<vmem>>
      %dma_wait3A_161 = tpu.memref_squeeze %dma_wait3A_160 : memref<1x100xi32, #tpu.memory_space<vmem>> -> memref<100xi32, #tpu.memory_space<vmem>>
      %dma_wait3A_162 = arith.constant 0 : i32
      %dma_wait3A_163 = arith.constant 0 : i32
      %dma_wait3A_164 = tpu.memref_slice %arg4[%dma_wait3A_162, %dma_wait3A_163] : memref<100000x64xf32, #tpu.memory_space<hbm>> -> memref<100000x64xf32, #tpu.memory_space<hbm>>
      tpu.wait_indirect_dma semaphore(%arg15 : memref<!tpu.dma_semaphore, #tpu.memory_space<semaphore_mem>>) src(%dma_wait3A_164 : memref<100000x64xf32, #tpu.memory_space<hbm>>) dst(%dma_wait3A_158 : memref<100x64xf32, #tpu.memory_space<vmem>>)
      %dma_wait3A_165 = arith.constant 0 : i32
      %dma_wait3A_166 = arith.constant 0 : i32
      %dma_wait3A_167 = arith.constant 0 : i32
      %dma_wait3A_168 = tpu.memref_slice %arg9[%dma_wait3A_165, %dma_wait3A_166, %dma_wait3A_167] : memref<2x400x64xf32, #tpu.memory_space<vmem>> -> memref<1x400x64xf32, #tpu.memory_space<vmem>>
      %dma_wait3A_169 = tpu.memref_squeeze %dma_wait3A_168 : memref<1x400x64xf32, #tpu.memory_space<vmem>> -> memref<400x64xf32, #tpu.memory_space<vmem>>
      %dma_wait3A_170 = arith.constant 200 : i32
      %dma_wait3A_171 = arith.constant 0 : i32
      %dma_wait3A_172 = tpu.memref_slice %dma_wait3A_169[%dma_wait3A_170, %dma_wait3A_171] : memref<400x64xf32, #tpu.memory_space<vmem>> -> memref<100x64xf32, #tpu.memory_space<vmem>>
      %dma_wait3A_173 = arith.constant 0 : i32
      %dma_wait3A_174 = tpu.memref_slice %arg7[%add3A_120, %dma_wait3A_173] : memref<256x100xi32, #tpu.memory_space<vmem>> -> memref<1x100xi32, #tpu.memory_space<vmem>>
      %dma_wait3A_175 = tpu.memref_squeeze %dma_wait3A_174 : memref<1x100xi32, #tpu.memory_space<vmem>> -> memref<100xi32, #tpu.memory_space<vmem>>
      %dma_wait3A_176 = arith.constant 0 : i32
      %dma_wait3A_177 = arith.constant 0 : i32
      %dma_wait3A_178 = tpu.memref_slice %arg4[%dma_wait3A_176, %dma_wait3A_177] : memref<100000x64xf32, #tpu.memory_space<hbm>> -> memref<100000x64xf32, #tpu.memory_space<hbm>>
      tpu.wait_indirect_dma semaphore(%arg15 : memref<!tpu.dma_semaphore, #tpu.memory_space<semaphore_mem>>) src(%dma_wait3A_178 : memref<100000x64xf32, #tpu.memory_space<hbm>>) dst(%dma_wait3A_172 : memref<100x64xf32, #tpu.memory_space<vmem>>)
      %dma_wait3A_179 = arith.constant 0 : i32
      %dma_wait3A_180 = arith.constant 0 : i32
      %dma_wait3A_181 = arith.constant 0 : i32
      %dma_wait3A_182 = tpu.memref_slice %arg9[%dma_wait3A_179, %dma_wait3A_180, %dma_wait3A_181] : memref<2x400x64xf32, #tpu.memory_space<vmem>> -> memref<1x400x64xf32, #tpu.memory_space<vmem>>
      %dma_wait3A_183 = tpu.memref_squeeze %dma_wait3A_182 : memref<1x400x64xf32, #tpu.memory_space<vmem>> -> memref<400x64xf32, #tpu.memory_space<vmem>>
      %dma_wait3A_184 = arith.constant 300 : i32
      %dma_wait3A_185 = arith.constant 0 : i32
      %dma_wait3A_186 = tpu.memref_slice %dma_wait3A_183[%dma_wait3A_184, %dma_wait3A_185] : memref<400x64xf32, #tpu.memory_space<vmem>> -> memref<100x64xf32, #tpu.memory_space<vmem>>
      %dma_wait3A_187 = arith.constant 0 : i32
      %dma_wait3A_188 = tpu.memref_slice %arg7[%add3A_124, %dma_wait3A_187] : memref<256x100xi32, #tpu.memory_space<vmem>> -> memref<1x100xi32, #tpu.memory_space<vmem>>
      %dma_wait3A_189 = tpu.memref_squeeze %dma_wait3A_188 : memref<1x100xi32, #tpu.memory_space<vmem>> -> memref<100xi32, #tpu.memory_space<vmem>>
      %dma_wait3A_190 = arith.constant 0 : i32
      %dma_wait3A_191 = arith.constant 0 : i32
      %dma_wait3A_192 = tpu.memref_slice %arg4[%dma_wait3A_190, %dma_wait3A_191] : memref<100000x64xf32, #tpu.memory_space<hbm>> -> memref<100000x64xf32, #tpu.memory_space<hbm>>
      tpu.wait_indirect_dma semaphore(%arg15 : memref<!tpu.dma_semaphore, #tpu.memory_space<semaphore_mem>>) src(%dma_wait3A_192 : memref<100000x64xf32, #tpu.memory_space<hbm>>) dst(%dma_wait3A_186 : memref<100x64xf32, #tpu.memory_space<vmem>>)
      %scan3A_193 = arith.constant 0 : i32
      %scan3A_194 = arith.constant 0 : i32
      %scan3A_195 = arith.constant 0 : i32
      %scan3A_196 = arith.constant 8 : i32
      %scan3A_197 = arith.addi %scan3A_195, %scan3A_196 : i32
      %scan3A_198 = arith.constant 1 : i32
      %scan3A_199:5 = scf.for %scan3A_329 = %scan3A_195 to %scan3A_197 step %scan3A_198 iter_args(%scan3A_330 = %scan3A_96, %scan3A_331 = %broadcast_in_dim3A_8, %scan3A_332 = %broadcast_in_dim3A_8, %scan3A_333 = %broadcast_in_dim3A_8, %scan3A_334 = %scan3A_97) -> (vector<16xf32>, vector<16xf32>, vector<16xf32>, vector<16xf32>, vector<16xf32>)  : i32 {
        %get3A = arith.constant 0 : i32
        %get3A_335 = arith.constant 0 : i32
        %get3A_336 = tpu.memref_slice %arg8[%scan3A_193, %get3A, %get3A_335] : memref<2x8x64xf32, #tpu.memory_space<vmem>> -> memref<1x8x64xf32, #tpu.memory_space<vmem>>
        %get3A_337 = tpu.memref_squeeze %get3A_336 : memref<1x8x64xf32, #tpu.memory_space<vmem>> -> memref<8x64xf32, #tpu.memory_space<vmem>>
        %get3A_338 = arith.index_cast %scan3A_329 : i32 to index
        %get3A_339 = arith.constant 0 : index
        %get3A_340 = tpu.vector_load %get3A_337[%get3A_338, %get3A_339] {strides = array<i32>} : memref<8x64xf32, #tpu.memory_space<vmem>>, vector<16xf32>,
        %get3A_341 = arith.constant 0 : i32
        %get3A_342 = arith.constant 0 : i32
        %get3A_343 = tpu.memref_slice %arg8[%scan3A_193, %get3A_341, %get3A_342] : memref<2x8x64xf32, #tpu.memory_space<vmem>> -> memref<1x8x64xf32, #tpu.memory_space<vmem>>
        %get3A_344 = tpu.memref_squeeze %get3A_343 : memref<1x8x64xf32, #tpu.memory_space<vmem>> -> memref<8x64xf32, #tpu.memory_space<vmem>>
        %get3A_345 = arith.index_cast %scan3A_329 : i32 to index
        %get3A_346 = arith.constant 16 : index
        %get3A_347 = tpu.vector_load %get3A_344[%get3A_345, %get3A_346] {strides = array<i32>} : memref<8x64xf32, #tpu.memory_space<vmem>>, vector<16xf32>,
        %get3A_348 = arith.constant 0 : i32
        %get3A_349 = arith.constant 0 : i32
        %get3A_350 = tpu.memref_slice %arg8[%scan3A_193, %get3A_348, %get3A_349] : memref<2x8x64xf32, #tpu.memory_space<vmem>> -> memref<1x8x64xf32, #tpu.memory_space<vmem>>
        %get3A_351 = tpu.memref_squeeze %get3A_350 : memref<1x8x64xf32, #tpu.memory_space<vmem>> -> memref<8x64xf32, #tpu.memory_space<vmem>>
        %get3A_352 = arith.index_cast %scan3A_329 : i32 to index
        %get3A_353 = arith.constant 32 : index
        %get3A_354 = tpu.vector_load %get3A_351[%get3A_352, %get3A_353] {strides = array<i32>} : memref<8x64xf32, #tpu.memory_space<vmem>>, vector<16xf32>,
        %get3A_355 = arith.constant 0 : i32
        %get3A_356 = arith.constant 0 : i32
        %get3A_357 = tpu.memref_slice %arg8[%scan3A_193, %get3A_355, %get3A_356] : memref<2x8x64xf32, #tpu.memory_space<vmem>> -> memref<1x8x64xf32, #tpu.memory_space<vmem>>
        %get3A_358 = tpu.memref_squeeze %get3A_357 : memref<1x8x64xf32, #tpu.memory_space<vmem>> -> memref<8x64xf32, #tpu.memory_space<vmem>>
        %get3A_359 = arith.index_cast %scan3A_329 : i32 to index
        %get3A_360 = arith.constant 48 : index
        %get3A_361 = tpu.vector_load %get3A_358[%get3A_359, %get3A_360] {strides = array<i32>} : memref<8x64xf32, #tpu.memory_space<vmem>>, vector<16xf32>,
        %mul3A_362 = arith.mulf %get3A_340, %get3A_340 : vector<16xf32>
        %mul3A_363 = arith.mulf %get3A_347, %get3A_347 : vector<16xf32>
        %add3A_364 = arith.addf %mul3A_362, %mul3A_363 : vector<16xf32>
        %mul3A_365 = arith.mulf %get3A_354, %get3A_354 : vector<16xf32>
        %mul3A_366 = arith.mulf %get3A_361, %get3A_361 : vector<16xf32>
        %add3A_367 = arith.addf %mul3A_365, %mul3A_366 : vector<16xf32>
        %add3A_368 = arith.addf %add3A_364, %add3A_367 : vector<16xf32>
        %add3A_369 = arith.addf %scan3A_334, %add3A_368 : vector<16xf32>
        %parallel_loop3A_370 = arith.constant 0 : i32
        %parallel_loop3A_371 = arith.constant 50 : i32
        %parallel_loop3A_372 = arith.constant 1 : i32
        %parallel_loop3A_373:4 = scf.for %parallel_loop3A_374 = %parallel_loop3A_370 to %parallel_loop3A_371 step %parallel_loop3A_372 iter_args(%parallel_loop3A_375 = %scan3A_330, %parallel_loop3A_376 = %scan3A_331, %parallel_loop3A_377 = %scan3A_332, %parallel_loop3A_378 = %scan3A_333) -> (vector<16xf32>, vector<16xf32>, vector<16xf32>, vector<16xf32>)  : i32 {
          %parallel_loop3A_379 = arith.constant 50 : i32
          %parallel_loop3A_380 = arith.muli %scan3A_329, %parallel_loop3A_379 : i32
          %parallel_loop3A_381 = arith.addi %parallel_loop3A_380, %parallel_loop3A_374 : i32
          %parallel_loop3A_382 = arith.constant 0 : i32
          %parallel_loop3A_383 = arith.constant 0 : i32
          %parallel_loop3A_384 = tpu.memref_slice %arg9[%scan3A_194, %parallel_loop3A_382, %parallel_loop3A_383] : memref<2x400x64xf32, #tpu.memory_space<vmem>> -> memref<1x400x64xf32, #tpu.memory_space<vmem>>
          %parallel_loop3A_385 = tpu.memref_squeeze %parallel_loop3A_384 : memref<1x400x64xf32, #tpu.memory_space<vmem>> -> memref<400x64xf32, #tpu.memory_space<vmem>>
          %parallel_loop3A_386 = arith.index_cast %parallel_loop3A_381 : i32 to index
          %parallel_loop3A_387 = arith.constant 0 : index
          %parallel_loop3A_388 = tpu.vector_load %parallel_loop3A_385[%parallel_loop3A_386, %parallel_loop3A_387] {strides = array<i32>} : memref<400x64xf32, #tpu.memory_space<vmem>>, vector<16xf32>,
          %parallel_loop3A_389 = arith.constant 0 : i32
          %parallel_loop3A_390 = arith.constant 0 : i32
          %parallel_loop3A_391 = tpu.memref_slice %arg9[%scan3A_194, %parallel_loop3A_389, %parallel_loop3A_390] : memref<2x400x64xf32, #tpu.memory_space<vmem>> -> memref<1x400x64xf32, #tpu.memory_space<vmem>>
          %parallel_loop3A_392 = tpu.memref_squeeze %parallel_loop3A_391 : memref<1x400x64xf32, #tpu.memory_space<vmem>> -> memref<400x64xf32, #tpu.memory_space<vmem>>
          %parallel_loop3A_393 = arith.index_cast %parallel_loop3A_381 : i32 to index
          %parallel_loop3A_394 = arith.constant 16 : index
          %parallel_loop3A_395 = tpu.vector_load %parallel_loop3A_392[%parallel_loop3A_393, %parallel_loop3A_394] {strides = array<i32>} : memref<400x64xf32, #tpu.memory_space<vmem>>, vector<16xf32>,
          %parallel_loop3A_396 = arith.constant 0 : i32
          %parallel_loop3A_397 = arith.constant 0 : i32
          %parallel_loop3A_398 = tpu.memref_slice %arg9[%scan3A_194, %parallel_loop3A_396, %parallel_loop3A_397] : memref<2x400x64xf32, #tpu.memory_space<vmem>> -> memref<1x400x64xf32, #tpu.memory_space<vmem>>
          %parallel_loop3A_399 = tpu.memref_squeeze %parallel_loop3A_398 : memref<1x400x64xf32, #tpu.memory_space<vmem>> -> memref<400x64xf32, #tpu.memory_space<vmem>>
          %parallel_loop3A_400 = arith.index_cast %parallel_loop3A_381 : i32 to index
          %parallel_loop3A_401 = arith.constant 32 : index
          %parallel_loop3A_402 = tpu.vector_load %parallel_loop3A_399[%parallel_loop3A_400, %parallel_loop3A_401] {strides = array<i32>} : memref<400x64xf32, #tpu.memory_space<vmem>>, vector<16xf32>,
          %parallel_loop3A_403 = arith.constant 0 : i32
          %parallel_loop3A_404 = arith.constant 0 : i32
          %parallel_loop3A_405 = tpu.memref_slice %arg9[%scan3A_194, %parallel_loop3A_403, %parallel_loop3A_404] : memref<2x400x64xf32, #tpu.memory_space<vmem>> -> memref<1x400x64xf32, #tpu.memory_space<vmem>>
          %parallel_loop3A_406 = tpu.memref_squeeze %parallel_loop3A_405 : memref<1x400x64xf32, #tpu.memory_space<vmem>> -> memref<400x64xf32, #tpu.memory_space<vmem>>
          %parallel_loop3A_407 = arith.index_cast %parallel_loop3A_381 : i32 to index
          %parallel_loop3A_408 = arith.constant 48 : index
          %parallel_loop3A_409 = tpu.vector_load %parallel_loop3A_406[%parallel_loop3A_407, %parallel_loop3A_408] {strides = array<i32>} : memref<400x64xf32, #tpu.memory_space<vmem>>, vector<16xf32>,
          %parallel_loop3A_410 = arith.mulf %get3A_340, %parallel_loop3A_388 : vector<16xf32>
          %parallel_loop3A_411 = arith.mulf %get3A_347, %parallel_loop3A_395 : vector<16xf32>
          %parallel_loop3A_412 = arith.addf %parallel_loop3A_410, %parallel_loop3A_411 : vector<16xf32>
          %parallel_loop3A_413 = arith.mulf %get3A_354, %parallel_loop3A_402 : vector<16xf32>
          %parallel_loop3A_414 = arith.mulf %get3A_361, %parallel_loop3A_409 : vector<16xf32>
          %parallel_loop3A_415 = arith.addf %parallel_loop3A_413, %parallel_loop3A_414 : vector<16xf32>
          %parallel_loop3A_416 = arith.addf %parallel_loop3A_412, %parallel_loop3A_415 : vector<16xf32>
          %parallel_loop3A_417 = arith.constant true
          %parallel_loop3A_418 = vector.broadcast %parallel_loop3A_417 : i1 to vector<16xi1>
          %parallel_loop3A_419 = tpu.scan <sum>, %parallel_loop3A_416 masked %parallel_loop3A_418 : vector<16xf32>, vector<16xi1> -> vector<16xf32>
          %parallel_loop3A_420 = arith.constant 16 : i32
          %parallel_loop3A_421 = arith.muli %parallel_loop3A_381, %parallel_loop3A_420 : i32
          %parallel_loop3A_422 = arith.index_cast %parallel_loop3A_421 : i32 to index
          %parallel_loop3A_423 = tpu.vector_load %arg10[%parallel_loop3A_422] {strides = array<i32>} : memref<6400xf32, #tpu.memory_space<vmem>>, vector<16xf32>,
          tpu.vector_store %arg10[%parallel_loop3A_422], %parallel_loop3A_419 {strides = array<i32>} : memref<6400xf32, #tpu.memory_space<vmem>>, vector<16xf32>,
          %parallel_loop3A_424 = arith.mulf %parallel_loop3A_388, %parallel_loop3A_388 : vector<16xf32>
          %parallel_loop3A_425 = arith.mulf %parallel_loop3A_395, %parallel_loop3A_395 : vector<16xf32>
          %parallel_loop3A_426 = arith.addf %parallel_loop3A_424, %parallel_loop3A_425 : vector<16xf32>
          %parallel_loop3A_427 = arith.mulf %parallel_loop3A_402, %parallel_loop3A_402 : vector<16xf32>
          %parallel_loop3A_428 = arith.mulf %parallel_loop3A_409, %parallel_loop3A_409 : vector<16xf32>
          %parallel_loop3A_429 = arith.addf %parallel_loop3A_427, %parallel_loop3A_428 : vector<16xf32>
          %parallel_loop3A_430 = arith.addf %parallel_loop3A_426, %parallel_loop3A_429 : vector<16xf32>
          %parallel_loop3A_431 = arith.addf %parallel_loop3A_375, %parallel_loop3A_430 : vector<16xf32>
          scf.yield %parallel_loop3A_376, %parallel_loop3A_377, %parallel_loop3A_378, %parallel_loop3A_431 : vector<16xf32>, vector<16xf32>, vector<16xf32>, vector<16xf32>
        } {sc.loop_unroll_factor = 10 : i64, sc.parallel_access}
        scf.yield %parallel_loop3A_373#0, %parallel_loop3A_373#1, %parallel_loop3A_373#2, %parallel_loop3A_373#3, %add3A_369 : vector<16xf32>, vector<16xf32>, vector<16xf32>, vector<16xf32>, vector<16xf32>
      }
      %scan3A_200 = arith.constant 8 : i32
      %add3A_201 = arith.addf %scan3A_199#0, %scan3A_199#1 : vector<16xf32>
      %add3A_202 = arith.addf %scan3A_199#2, %scan3A_199#3 : vector<16xf32>
      %add3A_203 = arith.addf %add3A_201, %add3A_202 : vector<16xf32>
      %parallel_loop3A = arith.constant 0 : i32
      %parallel_loop3A_204 = arith.constant 25 : i32
      %parallel_loop3A_205 = arith.constant 1 : i32
      scf.for %parallel_loop3A_329 = %parallel_loop3A to %parallel_loop3A_204 step %parallel_loop3A_205  : i32 {
        %parallel_loop3A_330 = arith.constant 256 : i32
        %parallel_loop3A_331 = arith.muli %parallel_loop3A_329, %parallel_loop3A_330 : i32
        %parallel_loop3A_332 = vector.broadcast %parallel_loop3A_331 : i32 to vector<16xi32>
        %parallel_loop3A_333 = arith.addi %parallel_loop3A_332, %mul3A_7 : vector<16xi32>
        %parallel_loop3A_334 = arith.constant 15 : i32
        %parallel_loop3A_335 = vector.broadcast %parallel_loop3A_334 : i32 to vector<16xi32>
        %parallel_loop3A_336 = arith.addi %parallel_loop3A_333, %parallel_loop3A_335 : vector<16xi32>
        %parallel_loop3A_337 = tpu.vector_load_idx %arg10[%parallel_loop3A_336] : memref<6400xf32, #tpu.memory_space<vmem>>[vector<16xi32>], vector<16xf32>,
        %parallel_loop3A_338 = arith.constant 16 : i32
        %parallel_loop3A_339 = arith.muli %parallel_loop3A_329, %parallel_loop3A_338 : i32
        %parallel_loop3A_340 = tpu.assume_multiple %parallel_loop3A_339, 16 : i32
        %parallel_loop3A_341 = arith.index_cast %parallel_loop3A_340 : i32 to index
        %parallel_loop3A_342 = tpu.vector_load %arg11[%parallel_loop3A_341] {strides = array<i32>} : memref<400xf32, #tpu.memory_space<vmem>>, vector<16xf32>,
        tpu.vector_store %arg11[%parallel_loop3A_341], %parallel_loop3A_337 {strides = array<i32>} : memref<400xf32, #tpu.memory_space<vmem>>, vector<16xf32>,
      } {sc.loop_unroll_factor = 5 : i64, sc.parallel_access}
      %mul3A_206 = arith.constant 8 : i32
      %mul3A_207 = arith.muli %add3A_101, %mul3A_206 : i32
      %add3A_208 = arith.addi %mul3A_2, %mul3A_207 : i32
      %mul3A_209 = arith.constant 50 : i32
      %mul3A_210 = arith.muli %add3A_208, %mul3A_209 : i32
      "tpu.region"() ({
        %run_scoped3A = tpu.sem_alloc : memref<!tpu.dma_semaphore, #tpu.memory_space<semaphore_mem>>
        %dma_start3A_329 = arith.constant 0 : i32
        %dma_start3A_330 = tpu.memref_slice %arg11[%dma_start3A_329] : memref<400xf32, #tpu.memory_space<vmem>> -> memref<400xf32, #tpu.memory_space<vmem>>
        %dma_start3A_331 = tpu.memref_slice %arg5[%mul3A_210] : memref<819200xf32, #tpu.memory_space<hbm>> -> memref<400xf32, #tpu.memory_space<hbm>>
        %dma_start3A_332 = tpu.memref_slice %arg5[%mul3A_210] : memref<819200xf32, #tpu.memory_space<hbm>> -> memref<400xf32, #tpu.memory_space<hbm>>
        %dma_start3A_333 = arith.constant 0 : i32
        %dma_start3A_334 = tpu.memref_slice %arg11[%dma_start3A_333] : memref<400xf32, #tpu.memory_space<vmem>> -> memref<400xf32, #tpu.memory_space<vmem>>
        tpu.enqueue_dma source(%dma_start3A_334 : memref<400xf32, #tpu.memory_space<vmem>>) target(%dma_start3A_332 : memref<400xf32, #tpu.memory_space<hbm>>) target_semaphore(%run_scoped3A : memref<!tpu.dma_semaphore, #tpu.memory_space<semaphore_mem>>)
        %dma_wait3A_335 = arith.constant 0 : i32
        %dma_wait3A_336 = tpu.memref_slice %arg11[%dma_wait3A_335] : memref<400xf32, #tpu.memory_space<vmem>> -> memref<400xf32, #tpu.memory_space<vmem>>
        %dma_wait3A_337 = tpu.memref_slice %arg5[%mul3A_210] : memref<819200xf32, #tpu.memory_space<hbm>> -> memref<400xf32, #tpu.memory_space<hbm>>
        %dma_wait3A_338 = tpu.memref_slice %arg5[%mul3A_210] : memref<819200xf32, #tpu.memory_space<hbm>> -> memref<400xf32, #tpu.memory_space<hbm>>
        %dma_wait3A_339 = arith.constant 0 : i32
        %dma_wait3A_340 = tpu.memref_slice %arg11[%dma_wait3A_339] : memref<400xf32, #tpu.memory_space<vmem>> -> memref<400xf32, #tpu.memory_space<vmem>>
        tpu.wait_dma2 semaphore(%run_scoped3A : memref<!tpu.dma_semaphore, #tpu.memory_space<semaphore_mem>>) src(%dma_wait3A_340 : memref<400xf32, #tpu.memory_space<vmem>>) dst(%dma_wait3A_338 : memref<400xf32, #tpu.memory_space<hbm>>)
        tpu.yield
      }) : () -> ()
      %mul3A_211 = arith.constant 2 : i32
      %mul3A_212 = arith.muli %scan3A_95, %mul3A_211 : i32
      %add3A_213 = arith.constant 1 : i32
      %add3A_214 = arith.addi %mul3A_212, %add3A_213 : i32
      %add3A_215 = arith.constant 1 : i32
      %add3A_216 = arith.addi %add3A_214, %add3A_215 : i32
      %lt3A_217 = arith.constant 64 : i32
      %lt3A_218 = arith.cmpi slt, %add3A_216, %lt3A_217 : i32
      %convert_element_type3A_219 = arith.extui %lt3A_218 : i1 to i32
      %cond3A_220 = arith.constant 0 : i32
      %cond3A_221 = arith.cmpi ne, %convert_element_type3A_219, %cond3A_220 : i32
      scf.if %cond3A_221 {
        %add3A_329 = arith.constant 1 : i32
        %add3A_330 = arith.addi %add3A_214, %add3A_329 : i32
        %mul3A_331 = arith.constant 8 : i32
        %mul3A_332 = arith.muli %add3A_330, %mul3A_331 : i32
        %add3A_333 = arith.addi %mul3A_2, %mul3A_332 : i32
        %mul3A_334 = arith.constant 4 : i32
        %mul3A_335 = arith.muli %add3A_330, %mul3A_334 : i32
        %add3A_336 = arith.constant 0 : i32
        %add3A_337 = arith.addi %mul3A_335, %add3A_336 : i32
        %mul3A_338 = arith.constant 4 : i32
        %mul3A_339 = arith.muli %add3A_330, %mul3A_338 : i32
        %add3A_340 = arith.constant 1 : i32
        %add3A_341 = arith.addi %mul3A_339, %add3A_340 : i32
        %mul3A_342 = arith.constant 4 : i32
        %mul3A_343 = arith.muli %add3A_330, %mul3A_342 : i32
        %add3A_344 = arith.constant 2 : i32
        %add3A_345 = arith.addi %mul3A_343, %add3A_344 : i32
        %mul3A_346 = arith.constant 4 : i32
        %mul3A_347 = arith.muli %add3A_330, %mul3A_346 : i32
        %add3A_348 = arith.constant 3 : i32
        %add3A_349 = arith.addi %mul3A_347, %add3A_348 : i32
        %dma_start3A_350 = arith.constant 0 : i32
        %dma_start3A_351 = arith.constant 0 : i32
        %dma_start3A_352 = arith.constant 0 : i32
        %dma_start3A_353 = tpu.memref_slice %arg8[%dma_start3A_350, %dma_start3A_351, %dma_start3A_352] : memref<2x8x64xf32, #tpu.memory_space<vmem>> -> memref<1x8x64xf32, #tpu.memory_space<vmem>>
        %dma_start3A_354 = tpu.memref_squeeze %dma_start3A_353 : memref<1x8x64xf32, #tpu.memory_space<vmem>> -> memref<8x64xf32, #tpu.memory_space<vmem>>
        %dma_start3A_355 = arith.constant 0 : i32
        %dma_start3A_356 = tpu.memref_slice %arg3[%add3A_333, %dma_start3A_355] : memref<16384x64xf32, #tpu.memory_space<hbm>> -> memref<8x64xf32, #tpu.memory_space<hbm>>
        %dma_start3A_357 = arith.constant 0 : i32
        %dma_start3A_358 = arith.constant 0 : i32
        %dma_start3A_359 = tpu.memref_slice %arg8[%dma_start3A_350, %dma_start3A_357, %dma_start3A_358] : memref<2x8x64xf32, #tpu.memory_space<vmem>> -> memref<1x8x64xf32, #tpu.memory_space<vmem>>
        %dma_start3A_360 = tpu.memref_squeeze %dma_start3A_359 : memref<1x8x64xf32, #tpu.memory_space<vmem>> -> memref<8x64xf32, #tpu.memory_space<vmem>>
        %dma_start3A_361 = arith.constant 0 : i32
        %dma_start3A_362 = tpu.memref_slice %arg3[%add3A_333, %dma_start3A_361] : memref<16384x64xf32, #tpu.memory_space<hbm>> -> memref<8x64xf32, #tpu.memory_space<hbm>>
        tpu.enqueue_dma source(%dma_start3A_362 : memref<8x64xf32, #tpu.memory_space<hbm>>) target(%dma_start3A_360 : memref<8x64xf32, #tpu.memory_space<vmem>>) target_semaphore(%arg13 : memref<!tpu.dma_semaphore, #tpu.memory_space<semaphore_mem>>)
        %dma_start3A_363 = arith.constant 0 : i32
        %dma_start3A_364 = arith.constant 0 : i32
        %dma_start3A_365 = arith.constant 0 : i32
        %dma_start3A_366 = tpu.memref_slice %arg9[%dma_start3A_363, %dma_start3A_364, %dma_start3A_365] : memref<2x400x64xf32, #tpu.memory_space<vmem>> -> memref<1x400x64xf32, #tpu.memory_space<vmem>>
        %dma_start3A_367 = tpu.memref_squeeze %dma_start3A_366 : memref<1x400x64xf32, #tpu.memory_space<vmem>> -> memref<400x64xf32, #tpu.memory_space<vmem>>
        %dma_start3A_368 = arith.constant 0 : i32
        %dma_start3A_369 = arith.constant 0 : i32
        %dma_start3A_370 = tpu.memref_slice %dma_start3A_367[%dma_start3A_368, %dma_start3A_369] : memref<400x64xf32, #tpu.memory_space<vmem>> -> memref<100x64xf32, #tpu.memory_space<vmem>>
        %dma_start3A_371 = arith.constant 0 : i32
        %dma_start3A_372 = tpu.memref_slice %arg7[%add3A_337, %dma_start3A_371] : memref<256x100xi32, #tpu.memory_space<vmem>> -> memref<1x100xi32, #tpu.memory_space<vmem>>
        %dma_start3A_373 = tpu.memref_squeeze %dma_start3A_372 : memref<1x100xi32, #tpu.memory_space<vmem>> -> memref<100xi32, #tpu.memory_space<vmem>>
        %dma_start3A_374 = arith.constant 0 : i32
        %dma_start3A_375 = arith.constant 0 : i32
        %dma_start3A_376 = tpu.memref_slice %arg4[%dma_start3A_374, %dma_start3A_375] : memref<100000x64xf32, #tpu.memory_space<hbm>> -> memref<100000x64xf32, #tpu.memory_space<hbm>>
        tpu.enqueue_indirect_dma source(%dma_start3A_376 : memref<100000x64xf32, #tpu.memory_space<hbm>>) target(%dma_start3A_370 : memref<100x64xf32, #tpu.memory_space<vmem>>) offsets(%dma_start3A_373 : memref<100xi32, #tpu.memory_space<vmem>>) semaphore(%arg15 : memref<!tpu.dma_semaphore, #tpu.memory_space<semaphore_mem>>)
        %dma_start3A_377 = arith.constant 0 : i32
        %dma_start3A_378 = arith.constant 0 : i32
        %dma_start3A_379 = arith.constant 0 : i32
        %dma_start3A_380 = tpu.memref_slice %arg9[%dma_start3A_377, %dma_start3A_378, %dma_start3A_379] : memref<2x400x64xf32, #tpu.memory_space<vmem>> -> memref<1x400x64xf32, #tpu.memory_space<vmem>>
        %dma_start3A_381 = tpu.memref_squeeze %dma_start3A_380 : memref<1x400x64xf32, #tpu.memory_space<vmem>> -> memref<400x64xf32, #tpu.memory_space<vmem>>
        %dma_start3A_382 = arith.constant 100 : i32
        %dma_start3A_383 = arith.constant 0 : i32
        %dma_start3A_384 = tpu.memref_slice %dma_start3A_381[%dma_start3A_382, %dma_start3A_383] : memref<400x64xf32, #tpu.memory_space<vmem>> -> memref<100x64xf32, #tpu.memory_space<vmem>>
        %dma_start3A_385 = arith.constant 0 : i32
        %dma_start3A_386 = tpu.memref_slice %arg7[%add3A_341, %dma_start3A_385] : memref<256x100xi32, #tpu.memory_space<vmem>> -> memref<1x100xi32, #tpu.memory_space<vmem>>
        %dma_start3A_387 = tpu.memref_squeeze %dma_start3A_386 : memref<1x100xi32, #tpu.memory_space<vmem>> -> memref<100xi32, #tpu.memory_space<vmem>>
        %dma_start3A_388 = arith.constant 0 : i32
        %dma_start3A_389 = arith.constant 0 : i32
        %dma_start3A_390 = tpu.memref_slice %arg4[%dma_start3A_388, %dma_start3A_389] : memref<100000x64xf32, #tpu.memory_space<hbm>> -> memref<100000x64xf32, #tpu.memory_space<hbm>>
        tpu.enqueue_indirect_dma source(%dma_start3A_390 : memref<100000x64xf32, #tpu.memory_space<hbm>>) target(%dma_start3A_384 : memref<100x64xf32, #tpu.memory_space<vmem>>) offsets(%dma_start3A_387 : memref<100xi32, #tpu.memory_space<vmem>>) semaphore(%arg15 : memref<!tpu.dma_semaphore, #tpu.memory_space<semaphore_mem>>)
        %dma_start3A_391 = arith.constant 0 : i32
        %dma_start3A_392 = arith.constant 0 : i32
        %dma_start3A_393 = arith.constant 0 : i32
        %dma_start3A_394 = tpu.memref_slice %arg9[%dma_start3A_391, %dma_start3A_392, %dma_start3A_393] : memref<2x400x64xf32, #tpu.memory_space<vmem>> -> memref<1x400x64xf32, #tpu.memory_space<vmem>>
        %dma_start3A_395 = tpu.memref_squeeze %dma_start3A_394 : memref<1x400x64xf32, #tpu.memory_space<vmem>> -> memref<400x64xf32, #tpu.memory_space<vmem>>
        %dma_start3A_396 = arith.constant 200 : i32
        %dma_start3A_397 = arith.constant 0 : i32
        %dma_start3A_398 = tpu.memref_slice %dma_start3A_395[%dma_start3A_396, %dma_start3A_397] : memref<400x64xf32, #tpu.memory_space<vmem>> -> memref<100x64xf32, #tpu.memory_space<vmem>>
        %dma_start3A_399 = arith.constant 0 : i32
        %dma_start3A_400 = tpu.memref_slice %arg7[%add3A_345, %dma_start3A_399] : memref<256x100xi32, #tpu.memory_space<vmem>> -> memref<1x100xi32, #tpu.memory_space<vmem>>
        %dma_start3A_401 = tpu.memref_squeeze %dma_start3A_400 : memref<1x100xi32, #tpu.memory_space<vmem>> -> memref<100xi32, #tpu.memory_space<vmem>>
        %dma_start3A_402 = arith.constant 0 : i32
        %dma_start3A_403 = arith.constant 0 : i32
        %dma_start3A_404 = tpu.memref_slice %arg4[%dma_start3A_402, %dma_start3A_403] : memref<100000x64xf32, #tpu.memory_space<hbm>> -> memref<100000x64xf32, #tpu.memory_space<hbm>>
        tpu.enqueue_indirect_dma source(%dma_start3A_404 : memref<100000x64xf32, #tpu.memory_space<hbm>>) target(%dma_start3A_398 : memref<100x64xf32, #tpu.memory_space<vmem>>) offsets(%dma_start3A_401 : memref<100xi32, #tpu.memory_space<vmem>>) semaphore(%arg15 : memref<!tpu.dma_semaphore, #tpu.memory_space<semaphore_mem>>)
        %dma_start3A_405 = arith.constant 0 : i32
        %dma_start3A_406 = arith.constant 0 : i32
        %dma_start3A_407 = arith.constant 0 : i32
        %dma_start3A_408 = tpu.memref_slice %arg9[%dma_start3A_405, %dma_start3A_406, %dma_start3A_407] : memref<2x400x64xf32, #tpu.memory_space<vmem>> -> memref<1x400x64xf32, #tpu.memory_space<vmem>>
        %dma_start3A_409 = tpu.memref_squeeze %dma_start3A_408 : memref<1x400x64xf32, #tpu.memory_space<vmem>> -> memref<400x64xf32, #tpu.memory_space<vmem>>
        %dma_start3A_410 = arith.constant 300 : i32
        %dma_start3A_411 = arith.constant 0 : i32
        %dma_start3A_412 = tpu.memref_slice %dma_start3A_409[%dma_start3A_410, %dma_start3A_411] : memref<400x64xf32, #tpu.memory_space<vmem>> -> memref<100x64xf32, #tpu.memory_space<vmem>>
        %dma_start3A_413 = arith.constant 0 : i32
        %dma_start3A_414 = tpu.memref_slice %arg7[%add3A_349, %dma_start3A_413] : memref<256x100xi32, #tpu.memory_space<vmem>> -> memref<1x100xi32, #tpu.memory_space<vmem>>
        %dma_start3A_415 = tpu.memref_squeeze %dma_start3A_414 : memref<1x100xi32, #tpu.memory_space<vmem>> -> memref<100xi32, #tpu.memory_space<vmem>>
        %dma_start3A_416 = arith.constant 0 : i32
        %dma_start3A_417 = arith.constant 0 : i32
        %dma_start3A_418 = tpu.memref_slice %arg4[%dma_start3A_416, %dma_start3A_417] : memref<100000x64xf32, #tpu.memory_space<hbm>> -> memref<100000x64xf32, #tpu.memory_space<hbm>>
        tpu.enqueue_indirect_dma source(%dma_start3A_418 : memref<100000x64xf32, #tpu.memory_space<hbm>>) target(%dma_start3A_412 : memref<100x64xf32, #tpu.memory_space<vmem>>) offsets(%dma_start3A_415 : memref<100xi32, #tpu.memory_space<vmem>>) semaphore(%arg15 : memref<!tpu.dma_semaphore, #tpu.memory_space<semaphore_mem>>)
      } else {
      }
      %mul3A_222 = arith.constant 8 : i32
      %mul3A_223 = arith.muli %add3A_214, %mul3A_222 : i32
      %add3A_224 = arith.addi %mul3A_2, %mul3A_223 : i32
      %mul3A_225 = arith.constant 4 : i32
      %mul3A_226 = arith.muli %add3A_214, %mul3A_225 : i32
      %add3A_227 = arith.constant 0 : i32
      %add3A_228 = arith.addi %mul3A_226, %add3A_227 : i32
      %mul3A_229 = arith.constant 4 : i32
      %mul3A_230 = arith.muli %add3A_214, %mul3A_229 : i32
      %add3A_231 = arith.constant 1 : i32
      %add3A_232 = arith.addi %mul3A_230, %add3A_231 : i32
      %mul3A_233 = arith.constant 4 : i32
      %mul3A_234 = arith.muli %add3A_214, %mul3A_233 : i32
      %add3A_235 = arith.constant 2 : i32
      %add3A_236 = arith.addi %mul3A_234, %add3A_235 : i32
      %mul3A_237 = arith.constant 4 : i32
      %mul3A_238 = arith.muli %add3A_214, %mul3A_237 : i32
      %add3A_239 = arith.constant 3 : i32
      %add3A_240 = arith.addi %mul3A_238, %add3A_239 : i32
      %dma_wait3A_241 = arith.constant 1 : i32
      %dma_wait3A_242 = arith.constant 0 : i32
      %dma_wait3A_243 = arith.constant 0 : i32
      %dma_wait3A_244 = tpu.memref_slice %arg8[%dma_wait3A_241, %dma_wait3A_242, %dma_wait3A_243] : memref<2x8x64xf32, #tpu.memory_space<vmem>> -> memref<1x8x64xf32, #tpu.memory_space<vmem>>
      %dma_wait3A_245 = tpu.memref_squeeze %dma_wait3A_244 : memref<1x8x64xf32, #tpu.memory_space<vmem>> -> memref<8x64xf32, #tpu.memory_space<vmem>>
      %dma_wait3A_246 = arith.constant 0 : i32
      %dma_wait3A_247 = tpu.memref_slice %arg3[%add3A_224, %dma_wait3A_246] : memref<16384x64xf32, #tpu.memory_space<hbm>> -> memref<8x64xf32, #tpu.memory_space<hbm>>
      %dma_wait3A_248 = arith.constant 0 : i32
      %dma_wait3A_249 = arith.constant 0 : i32
      %dma_wait3A_250 = tpu.memref_slice %arg8[%dma_wait3A_241, %dma_wait3A_248, %dma_wait3A_249] : memref<2x8x64xf32, #tpu.memory_space<vmem>> -> memref<1x8x64xf32, #tpu.memory_space<vmem>>
      %dma_wait3A_251 = tpu.memref_squeeze %dma_wait3A_250 : memref<1x8x64xf32, #tpu.memory_space<vmem>> -> memref<8x64xf32, #tpu.memory_space<vmem>>
      %dma_wait3A_252 = arith.constant 0 : i32
      %dma_wait3A_253 = tpu.memref_slice %arg3[%add3A_224, %dma_wait3A_252] : memref<16384x64xf32, #tpu.memory_space<hbm>> -> memref<8x64xf32, #tpu.memory_space<hbm>>
      tpu.wait_dma2 semaphore(%arg14 : memref<!tpu.dma_semaphore, #tpu.memory_space<semaphore_mem>>) src(%dma_wait3A_253 : memref<8x64xf32, #tpu.memory_space<hbm>>) dst(%dma_wait3A_251 : memref<8x64xf32, #tpu.memory_space<vmem>>)
      %dma_wait3A_254 = arith.constant 1 : i32
      %dma_wait3A_255 = arith.constant 0 : i32
      %dma_wait3A_256 = arith.constant 0 : i32
      %dma_wait3A_257 = tpu.memref_slice %arg9[%dma_wait3A_254, %dma_wait3A_255, %dma_wait3A_256] : memref<2x400x64xf32, #tpu.memory_space<vmem>> -> memref<1x400x64xf32, #tpu.memory_space<vmem>>
      %dma_wait3A_258 = tpu.memref_squeeze %dma_wait3A_257 : memref<1x400x64xf32, #tpu.memory_space<vmem>> -> memref<400x64xf32, #tpu.memory_space<vmem>>
      %dma_wait3A_259 = arith.constant 0 : i32
      %dma_wait3A_260 = arith.constant 0 : i32
      %dma_wait3A_261 = tpu.memref_slice %dma_wait3A_258[%dma_wait3A_259, %dma_wait3A_260] : memref<400x64xf32, #tpu.memory_space<vmem>> -> memref<100x64xf32, #tpu.memory_space<vmem>>
      %dma_wait3A_262 = arith.constant 0 : i32
      %dma_wait3A_263 = tpu.memref_slice %arg7[%add3A_228, %dma_wait3A_262] : memref<256x100xi32, #tpu.memory_space<vmem>> -> memref<1x100xi32, #tpu.memory_space<vmem>>
      %dma_wait3A_264 = tpu.memref_squeeze %dma_wait3A_263 : memref<1x100xi32, #tpu.memory_space<vmem>> -> memref<100xi32, #tpu.memory_space<vmem>>
      %dma_wait3A_265 = arith.constant 0 : i32
      %dma_wait3A_266 = arith.constant 0 : i32
      %dma_wait3A_267 = tpu.memref_slice %arg4[%dma_wait3A_265, %dma_wait3A_266] : memref<100000x64xf32, #tpu.memory_space<hbm>> -> memref<100000x64xf32, #tpu.memory_space<hbm>>
      tpu.wait_indirect_dma semaphore(%arg16 : memref<!tpu.dma_semaphore, #tpu.memory_space<semaphore_mem>>) src(%dma_wait3A_267 : memref<100000x64xf32, #tpu.memory_space<hbm>>) dst(%dma_wait3A_261 : memref<100x64xf32, #tpu.memory_space<vmem>>)
      %dma_wait3A_268 = arith.constant 1 : i32
      %dma_wait3A_269 = arith.constant 0 : i32
      %dma_wait3A_270 = arith.constant 0 : i32
      %dma_wait3A_271 = tpu.memref_slice %arg9[%dma_wait3A_268, %dma_wait3A_269, %dma_wait3A_270] : memref<2x400x64xf32, #tpu.memory_space<vmem>> -> memref<1x400x64xf32, #tpu.memory_space<vmem>>
      %dma_wait3A_272 = tpu.memref_squeeze %dma_wait3A_271 : memref<1x400x64xf32, #tpu.memory_space<vmem>> -> memref<400x64xf32, #tpu.memory_space<vmem>>
      %dma_wait3A_273 = arith.constant 100 : i32
      %dma_wait3A_274 = arith.constant 0 : i32
      %dma_wait3A_275 = tpu.memref_slice %dma_wait3A_272[%dma_wait3A_273, %dma_wait3A_274] : memref<400x64xf32, #tpu.memory_space<vmem>> -> memref<100x64xf32, #tpu.memory_space<vmem>>
      %dma_wait3A_276 = arith.constant 0 : i32
      %dma_wait3A_277 = tpu.memref_slice %arg7[%add3A_232, %dma_wait3A_276] : memref<256x100xi32, #tpu.memory_space<vmem>> -> memref<1x100xi32, #tpu.memory_space<vmem>>
      %dma_wait3A_278 = tpu.memref_squeeze %dma_wait3A_277 : memref<1x100xi32, #tpu.memory_space<vmem>> -> memref<100xi32, #tpu.memory_space<vmem>>
      %dma_wait3A_279 = arith.constant 0 : i32
      %dma_wait3A_280 = arith.constant 0 : i32
      %dma_wait3A_281 = tpu.memref_slice %arg4[%dma_wait3A_279, %dma_wait3A_280] : memref<100000x64xf32, #tpu.memory_space<hbm>> -> memref<100000x64xf32, #tpu.memory_space<hbm>>
      tpu.wait_indirect_dma semaphore(%arg16 : memref<!tpu.dma_semaphore, #tpu.memory_space<semaphore_mem>>) src(%dma_wait3A_281 : memref<100000x64xf32, #tpu.memory_space<hbm>>) dst(%dma_wait3A_275 : memref<100x64xf32, #tpu.memory_space<vmem>>)
      %dma_wait3A_282 = arith.constant 1 : i32
      %dma_wait3A_283 = arith.constant 0 : i32
      %dma_wait3A_284 = arith.constant 0 : i32
      %dma_wait3A_285 = tpu.memref_slice %arg9[%dma_wait3A_282, %dma_wait3A_283, %dma_wait3A_284] : memref<2x400x64xf32, #tpu.memory_space<vmem>> -> memref<1x400x64xf32, #tpu.memory_space<vmem>>
      %dma_wait3A_286 = tpu.memref_squeeze %dma_wait3A_285 : memref<1x400x64xf32, #tpu.memory_space<vmem>> -> memref<400x64xf32, #tpu.memory_space<vmem>>
      %dma_wait3A_287 = arith.constant 200 : i32
      %dma_wait3A_288 = arith.constant 0 : i32
      %dma_wait3A_289 = tpu.memref_slice %dma_wait3A_286[%dma_wait3A_287, %dma_wait3A_288] : memref<400x64xf32, #tpu.memory_space<vmem>> -> memref<100x64xf32, #tpu.memory_space<vmem>>
      %dma_wait3A_290 = arith.constant 0 : i32
      %dma_wait3A_291 = tpu.memref_slice %arg7[%add3A_236, %dma_wait3A_290] : memref<256x100xi32, #tpu.memory_space<vmem>> -> memref<1x100xi32, #tpu.memory_space<vmem>>
      %dma_wait3A_292 = tpu.memref_squeeze %dma_wait3A_291 : memref<1x100xi32, #tpu.memory_space<vmem>> -> memref<100xi32, #tpu.memory_space<vmem>>
      %dma_wait3A_293 = arith.constant 0 : i32
      %dma_wait3A_294 = arith.constant 0 : i32
      %dma_wait3A_295 = tpu.memref_slice %arg4[%dma_wait3A_293, %dma_wait3A_294] : memref<100000x64xf32, #tpu.memory_space<hbm>> -> memref<100000x64xf32, #tpu.memory_space<hbm>>
      tpu.wait_indirect_dma semaphore(%arg16 : memref<!tpu.dma_semaphore, #tpu.memory_space<semaphore_mem>>) src(%dma_wait3A_295 : memref<100000x64xf32, #tpu.memory_space<hbm>>) dst(%dma_wait3A_289 : memref<100x64xf32, #tpu.memory_space<vmem>>)
      %dma_wait3A_296 = arith.constant 1 : i32
      %dma_wait3A_297 = arith.constant 0 : i32
      %dma_wait3A_298 = arith.constant 0 : i32
      %dma_wait3A_299 = tpu.memref_slice %arg9[%dma_wait3A_296, %dma_wait3A_297, %dma_wait3A_298] : memref<2x400x64xf32, #tpu.memory_space<vmem>> -> memref<1x400x64xf32, #tpu.memory_space<vmem>>
      %dma_wait3A_300 = tpu.memref_squeeze %dma_wait3A_299 : memref<1x400x64xf32, #tpu.memory_space<vmem>> -> memref<400x64xf32, #tpu.memory_space<vmem>>
      %dma_wait3A_301 = arith.constant 300 : i32
      %dma_wait3A_302 = arith.constant 0 : i32
      %dma_wait3A_303 = tpu.memref_slice %dma_wait3A_300[%dma_wait3A_301, %dma_wait3A_302] : memref<400x64xf32, #tpu.memory_space<vmem>> -> memref<100x64xf32, #tpu.memory_space<vmem>>
      %dma_wait3A_304 = arith.constant 0 : i32
      %dma_wait3A_305 = tpu.memref_slice %arg7[%add3A_240, %dma_wait3A_304] : memref<256x100xi32, #tpu.memory_space<vmem>> -> memref<1x100xi32, #tpu.memory_space<vmem>>
      %dma_wait3A_306 = tpu.memref_squeeze %dma_wait3A_305 : memref<1x100xi32, #tpu.memory_space<vmem>> -> memref<100xi32, #tpu.memory_space<vmem>>
      %dma_wait3A_307 = arith.constant 0 : i32
      %dma_wait3A_308 = arith.constant 0 : i32
      %dma_wait3A_309 = tpu.memref_slice %arg4[%dma_wait3A_307, %dma_wait3A_308] : memref<100000x64xf32, #tpu.memory_space<hbm>> -> memref<100000x64xf32, #tpu.memory_space<hbm>>
      tpu.wait_indirect_dma semaphore(%arg16 : memref<!tpu.dma_semaphore, #tpu.memory_space<semaphore_mem>>) src(%dma_wait3A_309 : memref<100000x64xf32, #tpu.memory_space<hbm>>) dst(%dma_wait3A_303 : memref<100x64xf32, #tpu.memory_space<vmem>>)
      %scan3A_310 = arith.constant 1 : i32
      %scan3A_311 = arith.constant 1 : i32
      %scan3A_312 = arith.constant 0 : i32
      %scan3A_313 = arith.constant 8 : i32
      %scan3A_314 = arith.addi %scan3A_312, %scan3A_313 : i32
      %scan3A_315 = arith.constant 1 : i32
      %scan3A_316:5 = scf.for %scan3A_329 = %scan3A_312 to %scan3A_314 step %scan3A_315 iter_args(%scan3A_330 = %add3A_203, %scan3A_331 = %broadcast_in_dim3A_8, %scan3A_332 = %broadcast_in_dim3A_8, %scan3A_333 = %broadcast_in_dim3A_8, %scan3A_334 = %scan3A_199#4) -> (vector<16xf32>, vector<16xf32>, vector<16xf32>, vector<16xf32>, vector<16xf32>)  : i32 {
        %get3A = arith.constant 0 : i32
        %get3A_335 = arith.constant 0 : i32
        %get3A_336 = tpu.memref_slice %arg8[%scan3A_310, %get3A, %get3A_335] : memref<2x8x64xf32, #tpu.memory_space<vmem>> -> memref<1x8x64xf32, #tpu.memory_space<vmem>>
        %get3A_337 = tpu.memref_squeeze %get3A_336 : memref<1x8x64xf32, #tpu.memory_space<vmem>> -> memref<8x64xf32, #tpu.memory_space<vmem>>
        %get3A_338 = arith.index_cast %scan3A_329 : i32 to index
        %get3A_339 = arith.constant 0 : index
        %get3A_340 = tpu.vector_load %get3A_337[%get3A_338, %get3A_339] {strides = array<i32>} : memref<8x64xf32, #tpu.memory_space<vmem>>, vector<16xf32>,
        %get3A_341 = arith.constant 0 : i32
        %get3A_342 = arith.constant 0 : i32
        %get3A_343 = tpu.memref_slice %arg8[%scan3A_310, %get3A_341, %get3A_342] : memref<2x8x64xf32, #tpu.memory_space<vmem>> -> memref<1x8x64xf32, #tpu.memory_space<vmem>>
        %get3A_344 = tpu.memref_squeeze %get3A_343 : memref<1x8x64xf32, #tpu.memory_space<vmem>> -> memref<8x64xf32, #tpu.memory_space<vmem>>
        %get3A_345 = arith.index_cast %scan3A_329 : i32 to index
        %get3A_346 = arith.constant 16 : index
        %get3A_347 = tpu.vector_load %get3A_344[%get3A_345, %get3A_346] {strides = array<i32>} : memref<8x64xf32, #tpu.memory_space<vmem>>, vector<16xf32>,
        %get3A_348 = arith.constant 0 : i32
        %get3A_349 = arith.constant 0 : i32
        %get3A_350 = tpu.memref_slice %arg8[%scan3A_310, %get3A_348, %get3A_349] : memref<2x8x64xf32, #tpu.memory_space<vmem>> -> memref<1x8x64xf32, #tpu.memory_space<vmem>>
        %get3A_351 = tpu.memref_squeeze %get3A_350 : memref<1x8x64xf32, #tpu.memory_space<vmem>> -> memref<8x64xf32, #tpu.memory_space<vmem>>
        %get3A_352 = arith.index_cast %scan3A_329 : i32 to index
        %get3A_353 = arith.constant 32 : index
        %get3A_354 = tpu.vector_load %get3A_351[%get3A_352, %get3A_353] {strides = array<i32>} : memref<8x64xf32, #tpu.memory_space<vmem>>, vector<16xf32>,
        %get3A_355 = arith.constant 0 : i32
        %get3A_356 = arith.constant 0 : i32
        %get3A_357 = tpu.memref_slice %arg8[%scan3A_310, %get3A_355, %get3A_356] : memref<2x8x64xf32, #tpu.memory_space<vmem>> -> memref<1x8x64xf32, #tpu.memory_space<vmem>>
        %get3A_358 = tpu.memref_squeeze %get3A_357 : memref<1x8x64xf32, #tpu.memory_space<vmem>> -> memref<8x64xf32, #tpu.memory_space<vmem>>
        %get3A_359 = arith.index_cast %scan3A_329 : i32 to index
        %get3A_360 = arith.constant 48 : index
        %get3A_361 = tpu.vector_load %get3A_358[%get3A_359, %get3A_360] {strides = array<i32>} : memref<8x64xf32, #tpu.memory_space<vmem>>, vector<16xf32>,
        %mul3A_362 = arith.mulf %get3A_340, %get3A_340 : vector<16xf32>
        %mul3A_363 = arith.mulf %get3A_347, %get3A_347 : vector<16xf32>
        %add3A_364 = arith.addf %mul3A_362, %mul3A_363 : vector<16xf32>
        %mul3A_365 = arith.mulf %get3A_354, %get3A_354 : vector<16xf32>
        %mul3A_366 = arith.mulf %get3A_361, %get3A_361 : vector<16xf32>
        %add3A_367 = arith.addf %mul3A_365, %mul3A_366 : vector<16xf32>
        %add3A_368 = arith.addf %add3A_364, %add3A_367 : vector<16xf32>
        %add3A_369 = arith.addf %scan3A_334, %add3A_368 : vector<16xf32>
        %parallel_loop3A_370 = arith.constant 0 : i32
        %parallel_loop3A_371 = arith.constant 50 : i32
        %parallel_loop3A_372 = arith.constant 1 : i32
        %parallel_loop3A_373:4 = scf.for %parallel_loop3A_374 = %parallel_loop3A_370 to %parallel_loop3A_371 step %parallel_loop3A_372 iter_args(%parallel_loop3A_375 = %scan3A_330, %parallel_loop3A_376 = %scan3A_331, %parallel_loop3A_377 = %scan3A_332, %parallel_loop3A_378 = %scan3A_333) -> (vector<16xf32>, vector<16xf32>, vector<16xf32>, vector<16xf32>)  : i32 {
          %parallel_loop3A_379 = arith.constant 50 : i32
          %parallel_loop3A_380 = arith.muli %scan3A_329, %parallel_loop3A_379 : i32
          %parallel_loop3A_381 = arith.addi %parallel_loop3A_380, %parallel_loop3A_374 : i32
          %parallel_loop3A_382 = arith.constant 0 : i32
          %parallel_loop3A_383 = arith.constant 0 : i32
          %parallel_loop3A_384 = tpu.memref_slice %arg9[%scan3A_311, %parallel_loop3A_382, %parallel_loop3A_383] : memref<2x400x64xf32, #tpu.memory_space<vmem>> -> memref<1x400x64xf32, #tpu.memory_space<vmem>>
          %parallel_loop3A_385 = tpu.memref_squeeze %parallel_loop3A_384 : memref<1x400x64xf32, #tpu.memory_space<vmem>> -> memref<400x64xf32, #tpu.memory_space<vmem>>
          %parallel_loop3A_386 = arith.index_cast %parallel_loop3A_381 : i32 to index
          %parallel_loop3A_387 = arith.constant 0 : index
          %parallel_loop3A_388 = tpu.vector_load %parallel_loop3A_385[%parallel_loop3A_386, %parallel_loop3A_387] {strides = array<i32>} : memref<400x64xf32, #tpu.memory_space<vmem>>, vector<16xf32>,
          %parallel_loop3A_389 = arith.constant 0 : i32
          %parallel_loop3A_390 = arith.constant 0 : i32
          %parallel_loop3A_391 = tpu.memref_slice %arg9[%scan3A_311, %parallel_loop3A_389, %parallel_loop3A_390] : memref<2x400x64xf32, #tpu.memory_space<vmem>> -> memref<1x400x64xf32, #tpu.memory_space<vmem>>
          %parallel_loop3A_392 = tpu.memref_squeeze %parallel_loop3A_391 : memref<1x400x64xf32, #tpu.memory_space<vmem>> -> memref<400x64xf32, #tpu.memory_space<vmem>>
          %parallel_loop3A_393 = arith.index_cast %parallel_loop3A_381 : i32 to index
          %parallel_loop3A_394 = arith.constant 16 : index
          %parallel_loop3A_395 = tpu.vector_load %parallel_loop3A_392[%parallel_loop3A_393, %parallel_loop3A_394] {strides = array<i32>} : memref<400x64xf32, #tpu.memory_space<vmem>>, vector<16xf32>,
          %parallel_loop3A_396 = arith.constant 0 : i32
          %parallel_loop3A_397 = arith.constant 0 : i32
          %parallel_loop3A_398 = tpu.memref_slice %arg9[%scan3A_311, %parallel_loop3A_396, %parallel_loop3A_397] : memref<2x400x64xf32, #tpu.memory_space<vmem>> -> memref<1x400x64xf32, #tpu.memory_space<vmem>>
          %parallel_loop3A_399 = tpu.memref_squeeze %parallel_loop3A_398 : memref<1x400x64xf32, #tpu.memory_space<vmem>> -> memref<400x64xf32, #tpu.memory_space<vmem>>
          %parallel_loop3A_400 = arith.index_cast %parallel_loop3A_381 : i32 to index
          %parallel_loop3A_401 = arith.constant 32 : index
          %parallel_loop3A_402 = tpu.vector_load %parallel_loop3A_399[%parallel_loop3A_400, %parallel_loop3A_401] {strides = array<i32>} : memref<400x64xf32, #tpu.memory_space<vmem>>, vector<16xf32>,
          %parallel_loop3A_403 = arith.constant 0 : i32
          %parallel_loop3A_404 = arith.constant 0 : i32
          %parallel_loop3A_405 = tpu.memref_slice %arg9[%scan3A_311, %parallel_loop3A_403, %parallel_loop3A_404] : memref<2x400x64xf32, #tpu.memory_space<vmem>> -> memref<1x400x64xf32, #tpu.memory_space<vmem>>
          %parallel_loop3A_406 = tpu.memref_squeeze %parallel_loop3A_405 : memref<1x400x64xf32, #tpu.memory_space<vmem>> -> memref<400x64xf32, #tpu.memory_space<vmem>>
          %parallel_loop3A_407 = arith.index_cast %parallel_loop3A_381 : i32 to index
          %parallel_loop3A_408 = arith.constant 48 : index
          %parallel_loop3A_409 = tpu.vector_load %parallel_loop3A_406[%parallel_loop3A_407, %parallel_loop3A_408] {strides = array<i32>} : memref<400x64xf32, #tpu.memory_space<vmem>>, vector<16xf32>,
          %parallel_loop3A_410 = arith.mulf %get3A_340, %parallel_loop3A_388 : vector<16xf32>
          %parallel_loop3A_411 = arith.mulf %get3A_347, %parallel_loop3A_395 : vector<16xf32>
          %parallel_loop3A_412 = arith.addf %parallel_loop3A_410, %parallel_loop3A_411 : vector<16xf32>
          %parallel_loop3A_413 = arith.mulf %get3A_354, %parallel_loop3A_402 : vector<16xf32>
          %parallel_loop3A_414 = arith.mulf %get3A_361, %parallel_loop3A_409 : vector<16xf32>
          %parallel_loop3A_415 = arith.addf %parallel_loop3A_413, %parallel_loop3A_414 : vector<16xf32>
          %parallel_loop3A_416 = arith.addf %parallel_loop3A_412, %parallel_loop3A_415 : vector<16xf32>
          %parallel_loop3A_417 = arith.constant true
          %parallel_loop3A_418 = vector.broadcast %parallel_loop3A_417 : i1 to vector<16xi1>
          %parallel_loop3A_419 = tpu.scan <sum>, %parallel_loop3A_416 masked %parallel_loop3A_418 : vector<16xf32>, vector<16xi1> -> vector<16xf32>
          %parallel_loop3A_420 = arith.constant 16 : i32
          %parallel_loop3A_421 = arith.muli %parallel_loop3A_381, %parallel_loop3A_420 : i32
          %parallel_loop3A_422 = arith.index_cast %parallel_loop3A_421 : i32 to index
          %parallel_loop3A_423 = tpu.vector_load %arg10[%parallel_loop3A_422] {strides = array<i32>} : memref<6400xf32, #tpu.memory_space<vmem>>, vector<16xf32>,
          tpu.vector_store %arg10[%parallel_loop3A_422], %parallel_loop3A_419 {strides = array<i32>} : memref<6400xf32, #tpu.memory_space<vmem>>, vector<16xf32>,
          %parallel_loop3A_424 = arith.mulf %parallel_loop3A_388, %parallel_loop3A_388 : vector<16xf32>
          %parallel_loop3A_425 = arith.mulf %parallel_loop3A_395, %parallel_loop3A_395 : vector<16xf32>
          %parallel_loop3A_426 = arith.addf %parallel_loop3A_424, %parallel_loop3A_425 : vector<16xf32>
          %parallel_loop3A_427 = arith.mulf %parallel_loop3A_402, %parallel_loop3A_402 : vector<16xf32>
          %parallel_loop3A_428 = arith.mulf %parallel_loop3A_409, %parallel_loop3A_409 : vector<16xf32>
          %parallel_loop3A_429 = arith.addf %parallel_loop3A_427, %parallel_loop3A_428 : vector<16xf32>
          %parallel_loop3A_430 = arith.addf %parallel_loop3A_426, %parallel_loop3A_429 : vector<16xf32>
          %parallel_loop3A_431 = arith.addf %parallel_loop3A_375, %parallel_loop3A_430 : vector<16xf32>
          scf.yield %parallel_loop3A_376, %parallel_loop3A_377, %parallel_loop3A_378, %parallel_loop3A_431 : vector<16xf32>, vector<16xf32>, vector<16xf32>, vector<16xf32>
        } {sc.loop_unroll_factor = 10 : i64, sc.parallel_access}
        scf.yield %parallel_loop3A_373#0, %parallel_loop3A_373#1, %parallel_loop3A_373#2, %parallel_loop3A_373#3, %add3A_369 : vector<16xf32>, vector<16xf32>, vector<16xf32>, vector<16xf32>, vector<16xf32>
      }
      %scan3A_317 = arith.constant 8 : i32
      %add3A_318 = arith.addf %scan3A_316#0, %scan3A_316#1 : vector<16xf32>
      %add3A_319 = arith.addf %scan3A_316#2, %scan3A_316#3 : vector<16xf32>
      %add3A_320 = arith.addf %add3A_318, %add3A_319 : vector<16xf32>
      %parallel_loop3A_321 = arith.constant 0 : i32
      %parallel_loop3A_322 = arith.constant 25 : i32
      %parallel_loop3A_323 = arith.constant 1 : i32
      scf.for %parallel_loop3A_329 = %parallel_loop3A_321 to %parallel_loop3A_322 step %parallel_loop3A_323  : i32 {
        %parallel_loop3A_330 = arith.constant 256 : i32
        %parallel_loop3A_331 = arith.muli %parallel_loop3A_329, %parallel_loop3A_330 : i32
        %parallel_loop3A_332 = vector.broadcast %parallel_loop3A_331 : i32 to vector<16xi32>
        %parallel_loop3A_333 = arith.addi %parallel_loop3A_332, %mul3A_7 : vector<16xi32>
        %parallel_loop3A_334 = arith.constant 15 : i32
        %parallel_loop3A_335 = vector.broadcast %parallel_loop3A_334 : i32 to vector<16xi32>
        %parallel_loop3A_336 = arith.addi %parallel_loop3A_333, %parallel_loop3A_335 : vector<16xi32>
        %parallel_loop3A_337 = tpu.vector_load_idx %arg10[%parallel_loop3A_336] : memref<6400xf32, #tpu.memory_space<vmem>>[vector<16xi32>], vector<16xf32>,
        %parallel_loop3A_338 = arith.constant 16 : i32
        %parallel_loop3A_339 = arith.muli %parallel_loop3A_329, %parallel_loop3A_338 : i32
        %parallel_loop3A_340 = tpu.assume_multiple %parallel_loop3A_339, 16 : i32
        %parallel_loop3A_341 = arith.index_cast %parallel_loop3A_340 : i32 to index
        %parallel_loop3A_342 = tpu.vector_load %arg11[%parallel_loop3A_341] {strides = array<i32>} : memref<400xf32, #tpu.memory_space<vmem>>, vector<16xf32>,
        tpu.vector_store %arg11[%parallel_loop3A_341], %parallel_loop3A_337 {strides = array<i32>} : memref<400xf32, #tpu.memory_space<vmem>>, vector<16xf32>,
      } {sc.loop_unroll_factor = 5 : i64, sc.parallel_access}
      %mul3A_324 = arith.constant 8 : i32
      %mul3A_325 = arith.muli %add3A_214, %mul3A_324 : i32
      %add3A_326 = arith.addi %mul3A_2, %mul3A_325 : i32
      %mul3A_327 = arith.constant 50 : i32
      %mul3A_328 = arith.muli %add3A_326, %mul3A_327 : i32
      "tpu.region"() ({
        %run_scoped3A = tpu.sem_alloc : memref<!tpu.dma_semaphore, #tpu.memory_space<semaphore_mem>>
        %dma_start3A_329 = arith.constant 0 : i32
        %dma_start3A_330 = tpu.memref_slice %arg11[%dma_start3A_329] : memref<400xf32, #tpu.memory_space<vmem>> -> memref<400xf32, #tpu.memory_space<vmem>>
        %dma_start3A_331 = tpu.memref_slice %arg5[%mul3A_328] : memref<819200xf32, #tpu.memory_space<hbm>> -> memref<400xf32, #tpu.memory_space<hbm>>
        %dma_start3A_332 = tpu.memref_slice %arg5[%mul3A_328] : memref<819200xf32, #tpu.memory_space<hbm>> -> memref<400xf32, #tpu.memory_space<hbm>>
        %dma_start3A_333 = arith.constant 0 : i32
        %dma_start3A_334 = tpu.memref_slice %arg11[%dma_start3A_333] : memref<400xf32, #tpu.memory_space<vmem>> -> memref<400xf32, #tpu.memory_space<vmem>>
        tpu.enqueue_dma source(%dma_start3A_334 : memref<400xf32, #tpu.memory_space<vmem>>) target(%dma_start3A_332 : memref<400xf32, #tpu.memory_space<hbm>>) target_semaphore(%run_scoped3A : memref<!tpu.dma_semaphore, #tpu.memory_space<semaphore_mem>>)
        %dma_wait3A_335 = arith.constant 0 : i32
        %dma_wait3A_336 = tpu.memref_slice %arg11[%dma_wait3A_335] : memref<400xf32, #tpu.memory_space<vmem>> -> memref<400xf32, #tpu.memory_space<vmem>>
        %dma_wait3A_337 = tpu.memref_slice %arg5[%mul3A_328] : memref<819200xf32, #tpu.memory_space<hbm>> -> memref<400xf32, #tpu.memory_space<hbm>>
        %dma_wait3A_338 = tpu.memref_slice %arg5[%mul3A_328] : memref<819200xf32, #tpu.memory_space<hbm>> -> memref<400xf32, #tpu.memory_space<hbm>>
        %dma_wait3A_339 = arith.constant 0 : i32
        %dma_wait3A_340 = tpu.memref_slice %arg11[%dma_wait3A_339] : memref<400xf32, #tpu.memory_space<vmem>> -> memref<400xf32, #tpu.memory_space<vmem>>
        tpu.wait_dma2 semaphore(%run_scoped3A : memref<!tpu.dma_semaphore, #tpu.memory_space<semaphore_mem>>) src(%dma_wait3A_340 : memref<400xf32, #tpu.memory_space<vmem>>) dst(%dma_wait3A_338 : memref<400xf32, #tpu.memory_space<hbm>>)
        tpu.yield
      }) : () -> ()
      scf.yield %add3A_320, %scan3A_316#4 : vector<16xf32>, vector<16xf32>
    }
    %scan3A_89 = arith.constant 32 : i32
    %mul3A_90 = arith.constant 5.000000e+01 : f32
    %mul3A_91 = vector.broadcast %mul3A_90 : f32 to vector<16xf32>
    %mul3A_92 = arith.mulf %mul3A_91, %scan3A_88#1 : vector<16xf32>
    %add3A_93 = arith.addf %scan3A_88#0, %mul3A_92 : vector<16xf32>
    %swap3A = arith.constant 0 : index
    %swap3A_94 = tpu.vector_load %arg12[%swap3A] {strides = array<i32>} : memref<16xf32, #tpu.memory_space<vmem>>, vector<16xf32>,
    tpu.vector_store %arg12[%swap3A], %add3A_93 {strides = array<i32>} : memref<16xf32, #tpu.memory_space<vmem>>, vector<16xf32>,
    "tpu.region"() ({
      %run_scoped3A = tpu.sem_alloc : memref<!tpu.dma_semaphore, #tpu.memory_space<semaphore_mem>>
      %dma_start3A_95 = arith.constant 0 : i32
      %dma_start3A_96 = tpu.memref_slice %arg6[%add3A, %dma_start3A_95] : memref<32x16xf32, #tpu.memory_space<hbm>> -> memref<1x16xf32, #tpu.memory_space<hbm>>
      %dma_start3A_97 = tpu.memref_squeeze %dma_start3A_96 : memref<1x16xf32, #tpu.memory_space<hbm>> -> memref<16xf32, #tpu.memory_space<hbm>>
      %dma_start3A_98 = arith.constant 0 : i32
      %dma_start3A_99 = tpu.memref_slice %arg6[%add3A, %dma_start3A_98] : memref<32x16xf32, #tpu.memory_space<hbm>> -> memref<1x16xf32, #tpu.memory_space<hbm>>
      %dma_start3A_100 = tpu.memref_squeeze %dma_start3A_99 : memref<1x16xf32, #tpu.memory_space<hbm>> -> memref<16xf32, #tpu.memory_space<hbm>>
      tpu.enqueue_dma source(%arg12 : memref<16xf32, #tpu.memory_space<vmem>>) target(%dma_start3A_100 : memref<16xf32, #tpu.memory_space<hbm>>) target_semaphore(%run_scoped3A : memref<!tpu.dma_semaphore, #tpu.memory_space<semaphore_mem>>)
      %dma_wait3A = arith.constant 0 : i32
      %dma_wait3A_101 = tpu.memref_slice %arg6[%add3A, %dma_wait3A] : memref<32x16xf32, #tpu.memory_space<hbm>> -> memref<1x16xf32, #tpu.memory_space<hbm>>
      %dma_wait3A_102 = tpu.memref_squeeze %dma_wait3A_101 : memref<1x16xf32, #tpu.memory_space<hbm>> -> memref<16xf32, #tpu.memory_space<hbm>>
      %dma_wait3A_103 = arith.constant 0 : i32
      %dma_wait3A_104 = tpu.memref_slice %arg6[%add3A, %dma_wait3A_103] : memref<32x16xf32, #tpu.memory_space<hbm>> -> memref<1x16xf32, #tpu.memory_space<hbm>>
      %dma_wait3A_105 = tpu.memref_squeeze %dma_wait3A_104 : memref<1x16xf32, #tpu.memory_space<hbm>> -> memref<16xf32, #tpu.memory_space<hbm>>
      tpu.wait_dma2 semaphore(%run_scoped3A : memref<!tpu.dma_semaphore, #tpu.memory_space<semaphore_mem>>) src(%arg12 : memref<16xf32, #tpu.memory_space<vmem>>) dst(%dma_wait3A_105 : memref<16xf32, #tpu.memory_space<hbm>>)
      tpu.yield
    }) : () -> ()
    return
  }
}

</mosaic_0001>

<sc_bundles>
// kernel: gather_offload_async_start
scs
__scs_entry_jumppad:
0x0: {  	(pc) =	sbr.rel $0x88, $3  }
0x1: {  	(tag) =	ssettag $0x0;
	lr =	simm.s32 $0x1  }
0x2: {  	[smem:$0x3F9D] =	sst lr;
	_ =	strace $0xD0000000  }
0x3: {  	_ = 	snop  }
0x4: {  	_ = 	snop  }
0x5: {  	_ = 	snop  }
0x6: {  	_ = 	snop  }
0x7: {  	_ = 	snop  }
__scs_overlays_trampoline_lowered:
0x8: {  	[smem:$0x3FAC] =	sst s0  }
0x9: {  	[smem:$0x3FAD] =	sst s1  }
0xa: {  	[smem:$0x3FAE] =	sst s2  }
0xb: {  	[smem:$0x3FAF] =	sst s3  }
0xc: {  	[smem:$0x3FB0] =	sst s4  }
0xd: {  	[smem:$0x3FB1] =	sst s5  }
0xe: {  	[smem:$0x3FB2] =	sst s6  }
0xf: {  	[smem:$0x3FB3] =	sst s7  }
0x10: {  	[smem:$0x3FB4] =	sst s8  }
0x11: {  	[smem:$0x3FB5] =	sst s9;
	s0 =	simm.s32 @!p0 $0x0  }
0x12: {  	s1 =	sld [smem:$0x3F9B];
	s0 =	simm.s32 @p0 $0x1  }
0x13: {  	[smem:$0x3FB6] =	sst s0;
	s0 =	simm.s32 @!p1 $0x0  }
0x14: {  	s2 =	sld [smem:$0x3F9A];
	s0 =	simm.s32 @p1 $0x1  }
0x15: {  	[smem:$0x3FB7] =	sst s0;
	s0 =	simm.s32 @!p2 $0x0  }
0x16: {  	s3 =	sld [smem:$0x3FDB];
	s0 =	simm.s32 @p2 $0x1  }
0x17: {  	s4 =	simm.s32 $0x1BF5;
	[smem:$0x3FB9] =	sst s0  }
0x18: {  	s0 =	sld [smem:$0x3F9C];
	_ =	swait.ge [sflag:s4], $0x0  }
0x19: {  	s7 =	sld [smem:$0x3F9D]  }
0x1a: {  	s8 =	sadd.s32 $0xFFFFE003, lr  }
0x1b: {  	s9 =	sadd.s32 $0xFFFFFEF7, lr;
	s5 =	simm.s32 $0xFFFFFFFF;
	p2 =	slt.u32 s8, $0xFFFFF086  }
0x1c: {  	p1 =	slt.u32 s9, $0xF7A;
	s5 =	simm.s32 @!p2 $0x0  }
0x1d: {  	s5 =	simm.s32 @p1 $0x1;
	p0 =	seq.s32 s7, s2  }
0x1e: {  	s7 =	smul.u32 @!p0 $0xF7A, s2;
	p2 =	seq.s32 @!p0 s5, $0x0  }
0x1f: {  	s9 =	smul.u32 $0xF7A, s1;
	s8 =	simm.s32 @!p0 $0x1BF5;
	p2 =	por !p2, p0  }
0x20: {  	[sflag:s8] =	ssyncset.s32 @!p0 $0xFFFFF086;
	s6 =	sadd.s32 @!p0 s3, s7;
	s7 =	simm.s32 @!p0 $0x108  }
0x21: {  	s3 =	sadd.s32 s3, s9;
	s6 =	sadd.s32 @!p0 $0x88, s6;
	s7 =	simm.s32 @p2 $0x1082  }
0x22: {  	[simem:s7], [sflag:s8] =	dma.local @!p0 [hbm:s6], $0xF7A  }
0x23: {  	s9 =	sor.u32 $0xD0000000, s2;
	s6 =	simm.s32 $0x108;
	_ =	swait.ge @!p0 [sflag:s8], $0x0  }
0x24: {  	s3 =	sadd.s32 $0x88, s3;
	s6 =	simm.s32 @!p1 $0x1082;
	[sflag:s4] =	ssyncset.s32 $0xFFFFF086  }
0x25: {  	[simem:s6], [sflag:s4] =	dma.local [hbm:s3], $0xF7A  }
0x26: {  	[smem:$0x3F9D] =	sst s1;
	(tag) =	ssettag s2;
	_ =	strace s9  }
0x27: {  	s1 =	sld [smem:$0x3FAD]  }
0x28: {  	s2 =	sld [smem:$0x3FAE]  }
0x29: {  	s4 =	sld [smem:$0x3FB0]  }
0x2a: {  	p0 =	seq.s32 s5, $0x0;
	s5 =	sld [smem:$0x3FB1]  }
0x2b: {  	s6 =	sld [smem:$0x3FB2]  }
0x2c: {  	s7 =	sld [smem:$0x3FB3]  }
0x2d: {  	s3 =	simm.s32 $0x108;
	s8 =	sld [smem:$0x3FB4]  }
0x2e: {  	s3 =	simm.s32 @!p0 $0x1082;
	s9 =	sld [smem:$0x3FB5]  }
0x2f: {  	lr =	sadd.s32 s0, s3;
	s0 =	sld [smem:$0x3FAC]  }
0x30: {  	s3 =	sld [smem:$0x3FAF]  }
0x31: {  	[smem:$0x3FB8] =	sst s10  }
0x32: {  	s10 =	sld [smem:$0x3FB6];
	_ =	sdelay $0x3  }
0x33: {  	p0 =	seq.s32 s10, $0x1;
	s10 =	sld [smem:$0x3FB8];
	_ =	sdelay $0x3  }
0x34: {  	[smem:$0x3FB8] =	sst s10  }
0x35: {  	s10 =	sld [smem:$0x3FB7];
	_ =	sdelay $0x3  }
0x36: {  	p1 =	seq.s32 s10, $0x1;
	s10 =	sld [smem:$0x3FB8];
	_ =	sdelay $0x3  }
0x37: {  	[smem:$0x3FB8] =	sst s10  }
0x38: {  	s10 =	sld [smem:$0x3FB9]  }
0x39: {  	_ = 	snop;
	(pc) =	sbr.ind lr, $3  }
0x3a: {  	_ = 	snop  }
0x3b: {  	_ = 	snop  }
0x3c: {  	p2 =	seq.s32 s10, $0x1;
	s10 =	sld [smem:$0x3FB8]  }
0x3d: {  	_ =	shalt  }
0x3e: {  	_ =	shalt  }
0x3f: {  	_ =	shalt  }
0x40: {  	_ =	shalt  }
0x41: {  	_ =	shalt  }
0x42: {  	_ =	shalt  }
0x43: {  	_ =	shalt  }
0x44: {  	_ =	shalt  }
0x45: {  	_ =	shalt  }
0x46: {  	_ =	shalt  }
0x47: {  	_ =	shalt  }
0x48: {  	_ =	shalt  }
0x49: {  	_ =	shalt  }
0x4a: {  	_ =	shalt  }
0x4b: {  	_ =	shalt  }
0x4c: {  	_ =	shalt  }
0x4d: {  	_ =	shalt  }
0x4e: {  	_ =	shalt  }
0x4f: {  	_ =	shalt  }
0x50: {  	_ =	shalt  }
0x51: {  	_ =	shalt  }
0x52: {  	_ =	shalt  }
0x53: {  	_ =	shalt  }
0x54: {  	_ =	shalt  }
0x55: {  	_ =	shalt  }
0x56: {  	_ =	shalt  }
0x57: {  	_ =	shalt  }
0x58: {  	_ =	shalt  }
0x59: {  	_ =	shalt  }
0x5a: {  	_ =	shalt  }
0x5b: {  	_ =	shalt  }
0x5c: {  	_ =	shalt  }
0x5d: {  	_ =	shalt  }
0x5e: {  	_ =	shalt  }
0x5f: {  	_ =	shalt  }
0x60: {  	_ =	shalt  }
0x61: {  	_ =	shalt  }
0x62: {  	_ =	shalt  }
0x63: {  	_ =	shalt  }
0x64: {  	_ =	shalt  }
0x65: {  	_ =	shalt  }
0x66: {  	_ =	shalt  }
0x67: {  	_ =	shalt  }
0x68: {  	_ =	shalt  }
0x69: {  	_ =	shalt  }
0x6a: {  	_ =	shalt  }
0x6b: {  	_ =	shalt  }
0x6c: {  	_ =	shalt  }
0x6d: {  	_ =	shalt  }
0x6e: {  	_ =	shalt  }
0x6f: {  	_ =	shalt  }
0x70: {  	_ =	shalt  }
0x71: {  	_ =	shalt  }
0x72: {  	_ =	shalt  }
0x73: {  	_ =	shalt  }
0x74: {  	_ =	shalt  }
0x75: {  	_ =	shalt  }
0x76: {  	_ =	shalt  }
0x77: {  	_ =	shalt  }
0x78: {  	_ =	shalt  }
0x79: {  	_ =	shalt  }
0x7a: {  	_ =	shalt  }
0x7b: {  	_ =	shalt  }
0x7c: {  	_ =	shalt  }
0x7d: {  	_ =	shalt  }
0x7e: {  	_ =	shalt  }
0x7f: {  	_ =	shalt  }
0x80: {  	_ =	shalt  }
0x81: {  	_ =	shalt  }
0x82: {  	_ =	shalt  }
0x83: {  	_ =	shalt  }
0x84: {  	_ =	shalt  }
0x85: {  	_ =	shalt  }
0x86: {  	_ =	shalt  }
0x87: {  	_ =	shalt  }
.Lfunc_end0:
.L_simem_size_0:
called_computation_lowered:
.L_overlay_start_0:
0x88: {  	s2 =	sld [smem:$0x3FD9]  }
0x89: {  	s3 =	sld [smem:$0x3FFE];
	_ =	sdelay $0x1  }
0x8a: {  	s1 =	srdreg.scid  }
0x8b: {  	s0 =	sand.u32 $0x1, s1  }
0x8c: {  	s16 =	sshll.u32 s0, $0xA;
	s2 =	sadd.s32 s3, s2  }
0x8d: {  	s2 =	sadd.s32 s2, s16  }
0x8e: {  	[smem:$0x3FC4] =	sst s2  }
0x8f: {  	_ = 	snop  }
0x90: {  	(tm) =	ssettm $0x1  }
0x91: {  	s17 =	sld [smem:$0x3FFB];
	_ =	sdelay $0x3  }
0x92: {  	_ =	strace s17  }
0x93: {  	s2 =	sld [smem:$0x3FFC];
	_ =	sdelay $0x3  }
0x94: {  	_ =	strace s2  }
0x95: {  	s2 =	sld [smem:$0x3FFD];
	_ =	sdelay $0x3  }
0x96: {  	_ =	strace s2  }
0x97: {  	_ =	strace $0x8FFFFFFF  }
0x98: {  	s18 =	sld [smem:$0x3FDB];
	_ =	sdelay $0x1  }
0x99: {  	s19 =	simm.s32 $_scs_section_size  }
0x9a: {  	s4 =	simm.s32 $_size__tile_overlayer_lowered;
	s5 =	simm.s32 $_tile_overlayer_lowered  }
0x9b: {  	s22 =	simm.s32 $0x1BFF;
	s21 =	sshll.u32 s5, $0x1;
	s2 =	sadd.s32 s19, s18  }
0x9c: {  	s6 =	simm.s32 $0x0;
	s20 =	sshll.u32 s4, $0x1;
	s4 =	sadd.s32 s21, s2  }
0x9d: {  	[timem:s6], [sflag:s22] =	dma.local [hbm:s4], s20  }
0x9e: {  	_ =	swait.ge [sflag:s22], s20  }
0x9f: {  	s3 =	ssub.s32 $0x0, s20;
	[sflag:s22] =	ssyncset.done $0x0  }
0xa0: {  	[sflag:s22] =	ssyncadd.s32 s3;
	_ =	sdelay $0x1  }
0xa1: {  	s23 =	simm.s32 $0x1B8B  }
0xa2: {  	_ =	swait.ge [sflag:s23], $0x1  }
0xa3: {  	[sflag:s23] =	ssyncset.done $0x0  }
0xa4: {  	s25 =	simm.s32 $0x1B8E;
	s24 =	sld [smem:$0x3FFE];
	[sflag:s23] =	ssyncadd.s32 $0xFFFFFFFF  }
0xa5: {  	s26 =	simm.s32 $execute0_lowered;
	[smem:$0x3FD2] =	sst s25  }
0xa6: {  	s4 =	sshll.u32 s26, $0x1;
	_ =	strace $0x80000046;
	[dreg:$0x1] =	wrdreg $0xFFFFFFFF  }
0xa7: {  	s28 =	simm.s32 $_size_execute0_lowered;
	s2 =	sadd.s32 s2, s4;
	[dreg:$0x0] =	wrdreg $0x0  }
0xa8: {  	s4 =	sshll.u32 s28, $0x1;
	[dreg:$0x2] =	wrdreg s2  }
0xa9: {  	[dreg:$0x3] =	wrdreg s4  }
0xaa: {  	[dreg:$0x4] =	wrdreg $0xC0  }
0xab: {  	_ =	task [dreg:s6], $0x5FFFF  }
0xac: {  	[dreg:$0x1] =	wrdreg $0xFFFFFFFF  }
0xad: {  	[dreg:$0x0] =	wrdreg $0x60  }
0xae: {  	[dreg:$0x2] =	wrdreg s24  }
0xaf: {  	[dreg:$0x3] =	wrdreg $0x9  }
0xb0: {  	_ =	task.clear_ibuf [dreg:s6], $0x4FFFF;
	_ =	strace $0x90000046  }
0xb1: {  	s29 =	simm.s32 $0x9;
	_ =	strace $0x80000048  }
0xb2: {  	_ =	swait.ge [sflag:s29], $0x1  }
0xb3: {  	[sflag:s29] =	ssyncadd.s32 $0xFFFFFFFF  }
0xb4: {  	_ =	strace $0x90000048  }
0xb5: {  	_ =	sfence  }
0xb6: {  	s30 =	sld [smem:$0x0];
	_ =	sdelay $0x2  }
0xb7: {  	s31 =	sshll.u32 s1, $0xD;
	s1 =	sshrl.u32 s1, $0x2  }
0xb8: {  	s3 =	sand.u32 $0x4000, s31;
	s1 =	sadd.s32 s1, s30  }
0xb9: {  	s0 =	sor.u32 s3, s0;
	s1 =	sshll.u32 s1, $0x11  }
0xba: {  	s0 =	sor.u32 s1, s0  }
0xbb: {  	s0 =	sadd.s32 $0x8F2B, s0  }
0xbc: {  	[sflag:s0] =	ssyncadd.remote.s32 $0x1  }
0xbd: {  	_ =	sfence.sel $0xFFFF  }
0xbe: {  	[dreg:$0x0] =	wrdreg $0xFFFFFFFF;
	(pc) =	sbr.abs _section_cstart, $3  }
0xbf: {  	[dreg:$0x1] =	wrdreg $0xFFFFFFFF  }
0xc0: {  	_ =	task.clear_ibuf [dreg:s6], $0x2FFFF;
	_ =	strace $0x9FFFFFFF  }
0xc1: {  	(tm) =	ssettm $0x7FFFFFFF  }
tec
execute0_lowered:
.L_overlay_start_1:
0x0: {  	(tag) =	ssettag $0x1  }
0x1: {  	s7 =	rddreg [dreg:$0x0]  }
0x2: {  	s0 =	rddreg [dreg:$0x1];
	_ =	strace $0x80000047  }
0x3: {  	s1 =	srdreg.scid;
	s4 =	simm.s32 $0x1;
	s9 =	simm.s32 $0x3  }
0x4: {  	s11 =	simm.s32 $0x0;
	p0 =	por $0x0, $0x0;
	s5 =	sshll.u32 s1, $0x4  }
.Ltmp0:
0x5: {  	s1 =	stileid.u32;
	s5 =	sand.u32 $0x10, s5;
	(pc) =	sbr.rel .LBB2_1-.Ltmp0, $4  }
0x6: {  	s2 =	sadd.s32 $0x1200, s7;
	s3 =	sadd.s32 $0xA00, s7;
	s6 =	sor.u32 s1, s5  }
0x7: {  	[sflag:s4] =	ssyncpa.u1 $0x0;
	s5 =	simm.s32 $0x2;
	s6 =	sshll.u32 s6, $0x9  }
0x8: {  	s7 =	sadd.s32 $0x187C00, s7;
	[sflag:s5] =	ssyncpa.u1 $0x0;
	s8 =	sadd.s32 $0x200, s6  }
0x9: {  	vm0 =	vmmov $0xff;
	vm1 =	vcmask $0x3F20;
	[sflag:s9] =	ssyncpa.u1 $0x0;
	s10 =	smov.u32 s6;
	s9 =	simm.s32 $0x0  }
.LBB2_7:
0xa: {  	p1 =	slt.u32 s9, $0x2;
	s11 =	sadd.s32 $0x100, s10  }
0xb: {  	s13 =	smov.u32 s6;
	s9 =	sadd.s32 $0x1, s9;
	p2 =	slt.s32 s11, s8  }
0xc: {  	s13 =	smov.u32 @p2 s11;
	p2 =	sne.s32 s9, $0x4  }
.Ltmp1:
0xd: {  	_ = 	snop;
	(pc) =	sbr.rel @!p2 .LBB2_8-.Ltmp1, $4  }
0xe: {  	s12 =	simm.s32 @!p1 $0x3  }
0xf: {  	_ =	swait.ge @!p1 [sflag:s12], $0x8000  }
0x10: {  	p0 =	por !p0, !p0;
	[sflag:s12] =	ssyncset.done @!p1 $0x0  }
0x11: {  	s11 =	smov.u32 s10;
	s10 =	smov.u32 s13;
	[sflag:s12] =	ssyncadd.s32 @!p1 $0xFFFF8000  }
.LBB2_1:
0x12: {  	p1 =	sgt.u32 s9, $0x1  }
0x13: {  	s12 =	sshll.u32 @!p1 s9, $0x8;
	s13 =	sshrl.u32 @!p1 s10, $0x3  }
0x14: {  	s14 =	sand.u32 @!p1 $0x7, s10;
	s12 =	sxor.u32 @!p1 $0x100, s12;
	s13 =	sadd.s32 @!p1 s3, s13  }
0x15: {  	[tilespmem:s12], [sflag:$0x2] =	stream.linear.gather @!p1 [hbm4b:s13+s14], $0x100, $0x38;
	[tilespmem:$0x10200] =	vst v63  }
0x16: {  	p1 =	seq.s32 s9, $0x0  }
0x17: {  	p2 =	seq.s32 @!p1 s9, $0x3  }
0x18: {  	p1 =	por p1, p2  }
.Ltmp2:
0x19: {  	_ = 	snop;
	(pc) =	sbr.rel @p1 .LBB2_7-.Ltmp2, $1  }
0x1a: {  	_ =	sdelay $0x3  }
0x1b: {  	s12 =	simm.s32 $0x1  }
0x1c: {  	_ =	swait.ge [sflag:s5], $0x100;
	s12 =	simm.s32 @!p0 $0x0  }
0x1d: {  	[sflag:s5] =	ssyncset.done $0x0;
	s14 =	sshll.u32 s12, $0x8  }
0x1e: {  	[sflag:s5] =	ssyncadd.s32 $0xFFFFFF00;
	s13 =	sadd.s32 $0x0, s14  }
0x1f: {  	v0 =	vld.msk [tilespmem:s13+$0x0 ss:$0x1], $0xffff;
	_ =	sdelay $0x4  }
0x20: {  	vm2 =	vgt.s32 v0, $0x0  }
0x21: {  	v0 =	vnsel vm2, $0x0, v0  }
0x22: {  	v0 =	vmin.u32 v0, $0x1869F  }
0x23: {  	v0 =	vshll.u32 v0, $0x4;
	_ =	sdelay $0x2  }
0x24: {  	s12 =	sshll.u32 s12, $0xF  }
0x25: {  	s12 =	sor.u32 $0x200, s12  }
0x26: {  	[tilespmem:s12], [sflag:$0x1] =	stream.indirect_vreg.gather [hbm:s2], $0x80, v0, vm0, $0x38;
	[tilespmem:$0x10200] =	vst v63  }
0x27: {  	s15 =	sadd.s32 $0x10, s14;
	s13 =	sadd.s32 $0x400, s12  }
0x28: {  	[tilespmem:s13], [sflag:$0x1] =	stream.indirect_vreg.gather [hbm:s2], $0x80, v0, vm1, $0x38;
	[tilespmem:$0x10200] =	vst v63  }
0x29: {  	s16 =	simm.s32 $0x80;
	v0 =	vld.msk [tilespmem:s15+$0x0 ss:$0x1], $0xffff;
	s15 =	smov.u32 s12  }
.LBB2_3:
0x2a: {  	p1 =	sne.s32 s16, $0x3C0;
	_ =	sdelay $0x4  }
0x2b: {  	vm2 =	vgt.s32 v0, $0x0  }
0x2c: {  	v0 =	vnsel vm2, $0x0, v0  }
0x2d: {  	v0 =	vmin.u32 v0, $0x1869F  }
0x2e: {  	v0 =	vshll.u32 v0, $0x4;
	_ =	sdelay $0x3  }
.Ltmp3:
0x2f: {  	s17 =	sshra.s32 s16, $0x2;
	s15 =	sadd.s32 $0x800, s15;
	(pc) =	sbr.rel @p1 .LBB2_3-.Ltmp3, $4  }
0x30: {  	[tilespmem:s15], [sflag:$0x1] =	stream.indirect_vreg.gather [hbm:s2], $0x80, v0, vm0, $0x38;
	[tilespmem:$0x10200] =	vst v63  }
0x31: {  	s17 =	sadd.s32 s17, s14;
	s18 =	sadd.s32 $0x400, s15  }
0x32: {  	[tilespmem:s18], [sflag:$0x1] =	stream.indirect_vreg.gather [hbm:s2], $0x80, v0, vm1, $0x38;
	[tilespmem:$0x10200] =	vst v63  }
0x33: {  	s16 =	sadd.s32 $0x40, s16;
	v0 =	vld.msk [tilespmem:s17+$0x0 ss:$0x1], $0xffff  }
0x34: {  	_ =	sdelay $0x3  }
0x35: {  	vm2 =	vgt.s32 v0, $0x0  }
0x36: {  	v0 =	vnsel vm2, $0x0, v0  }
0x37: {  	v0 =	vmin.u32 v0, $0x1869F  }
0x38: {  	v0 =	vshll.u32 v0, $0x4;
	_ =	sdelay $0x3  }
0x39: {  	s14 =	sadd.s32 $0x800, s15  }
0x3a: {  	[tilespmem:s14], [sflag:$0x1] =	stream.indirect_vreg.gather [hbm:s2], $0x80, v0, vm0, $0x38;
	[tilespmem:$0x10200] =	vst v63  }
0x3b: {  	s14 =	sadd.s32 $0x400, s14  }
0x3c: {  	[tilespmem:s14], [sflag:$0x1] =	stream.indirect_vreg.gather [hbm:s2], $0x80, v0, vm1, $0x38;
	[tilespmem:$0x10200] =	vst v63  }
0x3d: {  	s11 =	sshll.u32 s11, $0x4;
	_ =	swait.ge [sflag:s4], $0x8000  }
0x3e: {  	s11 =	sadd.s32 s11, s7;
	[sflag:s4] =	ssyncset.done $0x0  }
0x3f: {  	s15 =	sadd.s32 $0x0, s11;
	s14 =	simm.s32 $0x80;
	[sflag:s4] =	ssyncadd.s32 $0xFFFF8000  }
.LBB2_5:
0x40: {  	[hbm:s15] =	stream.linear.scatter [tilespmem:s12], [sflag:$0x3], $0x400, $0x38;
	[tilespmem:$0x10200] =	vst v63  }
0x41: {  	s15 =	smov.u32 s14;
	s12 =	smov.u32 s13;
	p1 =	sne.s32 s14, $0xF80  }
.Ltmp4:
0x42: {  	s14 =	sadd.s32 $0x80, s14;
	(pc) =	sbr.rel @p1 .LBB2_5-.Ltmp4, $2  }
0x43: {  	_ =	sdelay $0x2  }
0x44: {  	s13 =	sadd.s32 $0x400, s13;
	s15 =	sadd.s32 s15, s11  }
.Ltmp5:
0x45: {  	(pc) =	sbr.rel .LBB2_7-.Ltmp5, $2  }
0x46: {  	_ =	sdelay $0x2  }
0x47: {  	[hbm:s15] =	stream.linear.scatter [tilespmem:s12], [sflag:$0x3], $0x400, $0x38;
	[tilespmem:$0x10200] =	vst v63  }
.LBB2_8:
0x48: {  	_ =	sfence.sel $0x180000  }
0x49: {  	s2 =	simm.s32 $0x2;
	[bflag:$0x0] =	sbarrier.arrive $0xFFFF  }
0x4a: {  	s30 =	simm.s32 $0x3;
	[sflag:s2] =	ssyncpa.u1 $0x1  }
0x4b: {  	s31 =	simm.s32 $0x1;
	[sflag:s30] =	ssyncpa.u1 $0x1  }
0x4c: {  	[sflag:s31] =	ssyncpa.u1 $0x1  }
0x4d: {  	p0 =	sne.s32 s1, $0x0;
	_ =	strace $0x90000047  }
0x4e: {  	s0 =	sadd.s32 @!p0 $0x100000, s0;
	[bflag:$0x2] =	sbarrier.arrive $0xFFFF  }
0x4f: {  	[sflag:s0] =	ssyncadd.tile.s32 @!p0 $0x1;
	_ =	shalt  }
.Lfunc_end2:
_tile_overlayer_lowered:
.L_overlay_start_2:
0x50: {  	(tag) =	ssettag $0x2  }
0x51: {  	s0 =	rddreg [dreg:$0x0];
	s2 =	stileid.u32  }
0x52: {  	s1 =	rddreg [dreg:$0x1];
	p0 =	sne.s32 s2, $0x0  }
0x53: {  	s3 =	rddreg [dreg:$0x2];
	[bflag:$0x3] =	sbarrier.arrive $0xFFFF;
	s2 =	simm.s32 @!p0 $0x1C01  }
0x54: {  	[timem:s3], [sflag:s2] =	dma.local @!p0 [hbm:s0], s1  }
0x55: {  	s0 =	simm.s32 @!p0 $0x1  }
0x56: {  	_ =	swait.ge @!p0 [sflag:s0], s1  }
0x57: {  	s1 =	ssub.s32 @!p0 $0x0, s1;
	[sflag:s0] =	ssyncset.done @!p0 $0x0  }
0x58: {  	[sflag:s0] =	ssyncadd.s32 @!p0 s1  }
0x59: {  	[bflag:$0x3] =	sbarrier.arrive $0xFFFF  }
0x5a: {  	_ =	shalt  }

// kernel: kernel.3.cloned.1.call-start
scs
__scs_entry_jumppad:
0x0: {  	(pc) =	sbr.rel $0x88, $3  }
0x1: {  	(tag) =	ssettag $0x0;
	lr =	simm.s32 $0x1  }
0x2: {  	[smem:$0x3F9D] =	sst lr;
	_ =	strace $0xD0000000  }
0x3: {  	_ = 	snop  }
0x4: {  	_ = 	snop  }
0x5: {  	_ = 	snop  }
0x6: {  	_ = 	snop  }
0x7: {  	_ = 	snop  }
__scs_overlays_trampoline_lowered:
0x8: {  	[smem:$0x3FAC] =	sst s0  }
0x9: {  	[smem:$0x3FAD] =	sst s1  }
0xa: {  	[smem:$0x3FAE] =	sst s2  }
0xb: {  	[smem:$0x3FAF] =	sst s3  }
0xc: {  	[smem:$0x3FB0] =	sst s4  }
0xd: {  	[smem:$0x3FB1] =	sst s5  }
0xe: {  	[smem:$0x3FB2] =	sst s6  }
0xf: {  	[smem:$0x3FB3] =	sst s7  }
0x10: {  	[smem:$0x3FB4] =	sst s8  }
0x11: {  	[smem:$0x3FB5] =	sst s9;
	s0 =	simm.s32 @!p0 $0x0  }
0x12: {  	s1 =	sld [smem:$0x3F9B];
	s0 =	simm.s32 @p0 $0x1  }
0x13: {  	[smem:$0x3FB6] =	sst s0;
	s0 =	simm.s32 @!p1 $0x0  }
0x14: {  	s2 =	sld [smem:$0x3F9A];
	s0 =	simm.s32 @p1 $0x1  }
0x15: {  	[smem:$0x3FB7] =	sst s0;
	s0 =	simm.s32 @!p2 $0x0  }
0x16: {  	s3 =	sld [smem:$0x3FDB];
	s0 =	simm.s32 @p2 $0x1  }
0x17: {  	s4 =	simm.s32 $0x1BF5;
	[smem:$0x3FB9] =	sst s0  }
0x18: {  	s0 =	sld [smem:$0x3F9C];
	_ =	swait.ge [sflag:s4], $0x0  }
0x19: {  	s7 =	sld [smem:$0x3F9D]  }
0x1a: {  	s8 =	sadd.s32 $0xFFFFE003, lr  }
0x1b: {  	s9 =	sadd.s32 $0xFFFFFEF7, lr;
	s5 =	simm.s32 $0xFFFFFFFF;
	p2 =	slt.u32 s8, $0xFFFFF086  }
0x1c: {  	p1 =	slt.u32 s9, $0xF7A;
	s5 =	simm.s32 @!p2 $0x0  }
0x1d: {  	s5 =	simm.s32 @p1 $0x1;
	p0 =	seq.s32 s7, s2  }
0x1e: {  	s7 =	smul.u32 @!p0 $0xF7A, s2;
	p2 =	seq.s32 @!p0 s5, $0x0  }
0x1f: {  	s9 =	smul.u32 $0xF7A, s1;
	s8 =	simm.s32 @!p0 $0x1BF5;
	p2 =	por !p2, p0  }
0x20: {  	[sflag:s8] =	ssyncset.s32 @!p0 $0xFFFFF086;
	s6 =	sadd.s32 @!p0 s3, s7;
	s7 =	simm.s32 @!p0 $0x108  }
0x21: {  	s3 =	sadd.s32 s3, s9;
	s6 =	sadd.s32 @!p0 $0x88, s6;
	s7 =	simm.s32 @p2 $0x1082  }
0x22: {  	[simem:s7], [sflag:s8] =	dma.local @!p0 [hbm:s6], $0xF7A  }
0x23: {  	s9 =	sor.u32 $0xD0000000, s2;
	s6 =	simm.s32 $0x108;
	_ =	swait.ge @!p0 [sflag:s8], $0x0  }
0x24: {  	s3 =	sadd.s32 $0x88, s3;
	s6 =	simm.s32 @!p1 $0x1082;
	[sflag:s4] =	ssyncset.s32 $0xFFFFF086  }
0x25: {  	[simem:s6], [sflag:s4] =	dma.local [hbm:s3], $0xF7A  }
0x26: {  	[smem:$0x3F9D] =	sst s1;
	(tag) =	ssettag s2;
	_ =	strace s9  }
0x27: {  	s1 =	sld [smem:$0x3FAD]  }
0x28: {  	s2 =	sld [smem:$0x3FAE]  }
0x29: {  	s4 =	sld [smem:$0x3FB0]  }
0x2a: {  	p0 =	seq.s32 s5, $0x0;
	s5 =	sld [smem:$0x3FB1]  }
0x2b: {  	s6 =	sld [smem:$0x3FB2]  }
0x2c: {  	s7 =	sld [smem:$0x3FB3]  }
0x2d: {  	s3 =	simm.s32 $0x108;
	s8 =	sld [smem:$0x3FB4]  }
0x2e: {  	s3 =	simm.s32 @!p0 $0x1082;
	s9 =	sld [smem:$0x3FB5]  }
0x2f: {  	lr =	sadd.s32 s0, s3;
	s0 =	sld [smem:$0x3FAC]  }
0x30: {  	s3 =	sld [smem:$0x3FAF]  }
0x31: {  	[smem:$0x3FB8] =	sst s10  }
0x32: {  	s10 =	sld [smem:$0x3FB6];
	_ =	sdelay $0x3  }
0x33: {  	p0 =	seq.s32 s10, $0x1;
	s10 =	sld [smem:$0x3FB8];
	_ =	sdelay $0x3  }
0x34: {  	[smem:$0x3FB8] =	sst s10  }
0x35: {  	s10 =	sld [smem:$0x3FB7];
	_ =	sdelay $0x3  }
0x36: {  	p1 =	seq.s32 s10, $0x1;
	s10 =	sld [smem:$0x3FB8];
	_ =	sdelay $0x3  }
0x37: {  	[smem:$0x3FB8] =	sst s10  }
0x38: {  	s10 =	sld [smem:$0x3FB9]  }
0x39: {  	_ = 	snop;
	(pc) =	sbr.ind lr, $3  }
0x3a: {  	_ = 	snop  }
0x3b: {  	_ = 	snop  }
0x3c: {  	p2 =	seq.s32 s10, $0x1;
	s10 =	sld [smem:$0x3FB8]  }
0x3d: {  	_ =	shalt  }
0x3e: {  	_ =	shalt  }
0x3f: {  	_ =	shalt  }
0x40: {  	_ =	shalt  }
0x41: {  	_ =	shalt  }
0x42: {  	_ =	shalt  }
0x43: {  	_ =	shalt  }
0x44: {  	_ =	shalt  }
0x45: {  	_ =	shalt  }
0x46: {  	_ =	shalt  }
0x47: {  	_ =	shalt  }
0x48: {  	_ =	shalt  }
0x49: {  	_ =	shalt  }
0x4a: {  	_ =	shalt  }
0x4b: {  	_ =	shalt  }
0x4c: {  	_ =	shalt  }
0x4d: {  	_ =	shalt  }
0x4e: {  	_ =	shalt  }
0x4f: {  	_ =	shalt  }
0x50: {  	_ =	shalt  }
0x51: {  	_ =	shalt  }
0x52: {  	_ =	shalt  }
0x53: {  	_ =	shalt  }
0x54: {  	_ =	shalt  }
0x55: {  	_ =	shalt  }
0x56: {  	_ =	shalt  }
0x57: {  	_ =	shalt  }
0x58: {  	_ =	shalt  }
0x59: {  	_ =	shalt  }
0x5a: {  	_ =	shalt  }
0x5b: {  	_ =	shalt  }
0x5c: {  	_ =	shalt  }
0x5d: {  	_ =	shalt  }
0x5e: {  	_ =	shalt  }
0x5f: {  	_ =	shalt  }
0x60: {  	_ =	shalt  }
0x61: {  	_ =	shalt  }
0x62: {  	_ =	shalt  }
0x63: {  	_ =	shalt  }
0x64: {  	_ =	shalt  }
0x65: {  	_ =	shalt  }
0x66: {  	_ =	shalt  }
0x67: {  	_ =	shalt  }
0x68: {  	_ =	shalt  }
0x69: {  	_ =	shalt  }
0x6a: {  	_ =	shalt  }
0x6b: {  	_ =	shalt  }
0x6c: {  	_ =	shalt  }
0x6d: {  	_ =	shalt  }
0x6e: {  	_ =	shalt  }
0x6f: {  	_ =	shalt  }
0x70: {  	_ =	shalt  }
0x71: {  	_ =	shalt  }
0x72: {  	_ =	shalt  }
0x73: {  	_ =	shalt  }
0x74: {  	_ =	shalt  }
0x75: {  	_ =	shalt  }
0x76: {  	_ =	shalt  }
0x77: {  	_ =	shalt  }
0x78: {  	_ =	shalt  }
0x79: {  	_ =	shalt  }
0x7a: {  	_ =	shalt  }
0x7b: {  	_ =	shalt  }
0x7c: {  	_ =	shalt  }
0x7d: {  	_ =	shalt  }
0x7e: {  	_ =	shalt  }
0x7f: {  	_ =	shalt  }
0x80: {  	_ =	shalt  }
0x81: {  	_ =	shalt  }
0x82: {  	_ =	shalt  }
0x83: {  	_ =	shalt  }
0x84: {  	_ =	shalt  }
0x85: {  	_ =	shalt  }
0x86: {  	_ =	shalt  }
0x87: {  	_ =	shalt  }
.Lfunc_end0:
.L_simem_size_0:
called_computation.1_lowered:
.L_overlay_start_0:
0x88: {  	s2 =	sld [smem:$0x3FD9]  }
0x89: {  	s3 =	sld [smem:$0x3FFE];
	_ =	sdelay $0x1  }
0x8a: {  	s1 =	srdreg.scid  }
0x8b: {  	s0 =	sand.u32 $0x1, s1  }
0x8c: {  	s14 =	sshll.u32 s0, $0xA;
	s2 =	sadd.s32 s3, s2  }
0x8d: {  	s2 =	sadd.s32 s2, s14  }
0x8e: {  	[smem:$0x3FC4] =	sst s2  }
0x8f: {  	_ = 	snop  }
0x90: {  	s2 =	sld [smem:$0x3FD0];
	_ =	sdelay $0x2  }
0x91: {  	s15 =	simm.s32 $0xA;
	s4 =	simm.s32 $0x10  }
0x92: {  	[smem:s4], [sflag:s15] =	dma.local [hbm:s2], $0x1  }
0x93: {  	_ =	swait.eq [sflag:s15], $0x1  }
0x94: {  	[sflag:s15] =	ssyncset.done $0x0  }
0x95: {  	[sflag:s15] =	ssyncadd.s32 $0xFFFFFFFF  }
0x96: {  	s16 =	sld [smem:$0x10];
	(tm) =	ssettm $0x1  }
0x97: {  	s17 =	sld [smem:$0x3FFB];
	_ =	sdelay $0x3  }
0x98: {  	_ =	strace s17  }
0x99: {  	s3 =	sld [smem:$0x3FFC];
	_ =	sdelay $0x3  }
0x9a: {  	_ =	strace s3  }
0x9b: {  	s3 =	sld [smem:$0x3FFD];
	_ =	sdelay $0x3  }
0x9c: {  	_ =	strace s3  }
0x9d: {  	_ =	strace $0x8FFFFFFF  }
0x9e: {  	s18 =	sld [smem:$0x3FDB];
	_ =	sdelay $0x1  }
0x9f: {  	s19 =	simm.s32 $_scs_section_size  }
0xa0: {  	s5 =	simm.s32 $_size__tile_overlayer_lowered;
	s6 =	simm.s32 $_tile_overlayer_lowered  }
0xa1: {  	s22 =	simm.s32 $0x1BFF;
	s21 =	sshll.u32 s6, $0x1;
	s3 =	sadd.s32 s19, s18  }
0xa2: {  	s7 =	simm.s32 $0x0;
	s20 =	sshll.u32 s5, $0x1;
	s5 =	sadd.s32 s21, s3  }
0xa3: {  	[timem:s7], [sflag:s22] =	dma.local [hbm:s5], s20  }
0xa4: {  	_ =	swait.ge [sflag:s22], s20  }
0xa5: {  	s4 =	ssub.s32 $0x0, s20;
	[sflag:s22] =	ssyncset.done $0x0  }
0xa6: {  	[sflag:s22] =	ssyncadd.s32 s4;
	_ =	sdelay $0x1  }
0xa7: {  	s23 =	simm.s32 $0x1B8B  }
0xa8: {  	_ =	swait.ge [sflag:s23], $0x1  }
0xa9: {  	[sflag:s23] =	ssyncset.done $0x0  }
0xaa: {  	s25 =	simm.s32 $0x1B8E;
	s24 =	sld [smem:$0x3FFE];
	[sflag:s23] =	ssyncadd.s32 $0xFFFFFFFF  }
0xab: {  	s26 =	simm.s32 $execute0_lowered;
	[smem:$0x3FD2] =	sst s25  }
0xac: {  	s5 =	sshll.u32 s26, $0x1;
	_ =	strace $0x80000049;
	[dreg:$0x1] =	wrdreg $0xFFFFFFFF  }
0xad: {  	s28 =	simm.s32 $_size_execute0_lowered;
	s3 =	sadd.s32 s3, s5;
	[dreg:$0x0] =	wrdreg $0x0  }
0xae: {  	s5 =	sshll.u32 s28, $0x1;
	[dreg:$0x2] =	wrdreg s3  }
0xaf: {  	[dreg:$0x3] =	wrdreg s5  }
0xb0: {  	[dreg:$0x4] =	wrdreg $0xC0  }
0xb1: {  	_ =	task [dreg:s7], $0x5FFFF  }
0xb2: {  	[dreg:$0x1] =	wrdreg $0xFFFFFFFF  }
0xb3: {  	[dreg:$0x0] =	wrdreg $0x60  }
0xb4: {  	[dreg:$0x2] =	wrdreg s16  }
0xb5: {  	[dreg:$0x3] =	wrdreg s24  }
0xb6: {  	[dreg:$0x4] =	wrdreg $0x9  }
0xb7: {  	_ =	task.clear_ibuf [dreg:s7], $0x5FFFF;
	_ =	strace $0x90000049  }
0xb8: {  	s29 =	simm.s32 $0x9;
	_ =	strace $0x8000004B  }
0xb9: {  	_ =	swait.ge [sflag:s29], $0x1  }
0xba: {  	[sflag:s29] =	ssyncadd.s32 $0xFFFFFFFF  }
0xbb: {  	_ =	strace $0x9000004B  }
0xbc: {  	_ =	sfence  }
0xbd: {  	s30 =	sld [smem:$0x0];
	_ =	sdelay $0x2  }
0xbe: {  	s31 =	sshll.u32 s1, $0xD;
	s1 =	sshrl.u32 s1, $0x2  }
0xbf: {  	s3 =	sand.u32 $0x4000, s31;
	s1 =	sadd.s32 s1, s30  }
0xc0: {  	s0 =	sor.u32 s3, s0;
	s1 =	sshll.u32 s1, $0x11  }
0xc1: {  	s0 =	sor.u32 s1, s0  }
0xc2: {  	s0 =	sadd.s32 $0x8F2B, s0  }
0xc3: {  	[sflag:s0] =	ssyncadd.remote.s32 $0x1  }
0xc4: {  	_ =	sfence.sel $0xFFFF  }
0xc5: {  	[dreg:$0x0] =	wrdreg $0xFFFFFFFF;
	(pc) =	sbr.abs _section_cstart, $3  }
0xc6: {  	[dreg:$0x1] =	wrdreg $0xFFFFFFFF  }
0xc7: {  	_ =	task.clear_ibuf [dreg:s7], $0x2FFFF;
	_ =	strace $0x9FFFFFFF  }
0xc8: {  	(tm) =	ssettm $0x7FFFFFFF  }
0xc9: {  	_ =	shalt  }
tec
execute0_lowered:
.L_overlay_start_1:
0x0: {  	(tag) =	ssettag $0x1  }
0x1: {  	s0 =	rddreg [dreg:$0x0];
	s1 =	srdreg.scid  }
0x2: {  	s2 =	stileid.u32;
	s5 =	rddreg [dreg:$0x1];
	s12 =	simm.s32 $0x64  }
0x3: {  	s20 =	simm.s32 $0x6A00;
	s21 =	simm.s32 $0xD000;
	s22 =	simm.s32 $0xE900  }
0x4: {  	s23 =	simm.s32 $0x10200;
	s24 =	simm.s32 $0x11B00;
	s25 =	simm.s32 $0x1  }
0x5: {  	s28 =	simm.s32 $0x13400;
	s29 =	simm.s32 $0x14D00;
	s30 =	simm.s32 $0x2  }
0x6: {  	s31 =	simm.s32 $0x4;
	s1 =	sand.u32 $0x1, s1;
	s3 =	sshll.u32 s2, $0x1  }
0x7: {  	s2 =	simm.s32 $0x0;
	s4 =	sadd.s32 $0x1E7E00, s5;
	s6 =	sor.u32 s1, s3  }
0x8: {  	[smem:$0x7FF] =	sst s2;
	s1 =	ssub.s32 $0x2, s1;
	s3 =	sshll.u32 s6, $0xC  }
0x9: {  	_ =	strace $0x8000004A;
	s8 =	sshll.u32 s6, $0x1;
	s9 =	sshrl.u32 s1, $0x1  }
0xa: {  	s10 =	smul.u32 $0xD00, s6;
	s7 =	sadd.s32 s3, s5;
	s3 =	sadd.s32 $0x34E600, s5  }
0xb: {  	v0 =	vlaneseq.u32;
	s8 =	sadd.s32 s8, s5;
	s1 =	ssub.s32 s1, s9;
	s5 =	sshll.u32 s6, $0x9  }
0xc: {  	v0 =	vmul.u32 $0x10, v0;
	s0 =	sadd.s32 s0, s10;
	s7 =	sadd.s32 $0x1C7C00, s7;
	s26 =	sadd.s32 $0x1E7C00, s8  }
0xd: {  	s9 =	smax.u32 s1, $0x1;
	s10 =	simm.s32 $0x5;
	[dreg:$0x3] =	wrdreg s0  }
0xe: {  	v0 =	vor.u32 $0xF, v0;
	[dreg:$0x4] =	wrdreg s26;
	s26 =	simm.s32 $0x3;
	s0 =	simm.s32 $0x0  }
.LBB2_1:
0xf: {  	s1 =	rddreg [dreg:$0x3]  }
0x10: {  	[tilespmem:s2], [sflag:$0x5] =	stream.linear.gather [hbm4b:s1+s2], $0x6800, $0x38;
	[tilespmem:$0x14EA0] =	vst v63  }
0x11: {  	_ =	swait.ge [sflag:s10], $0x6800  }
0x12: {  	[sflag:s10] =	ssyncset.done $0x0  }
0x13: {  	s13 =	simm.s32 $0x6800;
	[sflag:s10] =	ssyncadd.s32 $0xFFFF9800  }
0x14: {  	[tilespmem:s13], [sflag:$0x1] =	stream.linear.gather [hbm4b:s7+s2], $0x200, $0x38;
	[tilespmem:$0x14EA0] =	vst v63  }
0x15: {  	s14 =	simm.s32 $0x6C00  }
0x16: {  	[tilespmem:s14], [sflag:$0x3] =	stream.indirect.gather [hbm4b:s3+s12], $0x40, s2, s12, $0xb8;
	[tilespmem:$0x14EA0] =	vst v63  }
0x17: {  	s15 =	simm.s32 $0x68;
	s6 =	simm.s32 $0x8500  }
0x18: {  	[tilespmem:s6], [sflag:$0x3] =	stream.indirect.gather [hbm4b:s3+s12], $0x40, s15, s12, $0xb8;
	[tilespmem:$0x14EA0] =	vst v63  }
0x19: {  	s16 =	simm.s32 $0xD0;
	s17 =	simm.s32 $0x9E00  }
0x1a: {  	[tilespmem:s17], [sflag:$0x3] =	stream.indirect.gather [hbm4b:s3+s12], $0x40, s16, s12, $0xb8;
	[tilespmem:$0x14EA0] =	vst v63  }
0x1b: {  	s18 =	simm.s32 $0x138;
	s19 =	simm.s32 $0xB700;
	s11 =	simm.s32 $0x0  }
0x1c: {  	v6 =	vimm.f32 $0.0e+00;
	v1 =	vimm.f32 $0.0e+00;
	[tilespmem:s19], [sflag:$0x3] =	stream.indirect.gather [hbm4b:s3+s12], $0x40, s18, s12, $0xb8;
	[tilespmem:$0x14EA0] =	vst v63  }
.LBB2_2:
0x1d: {  	s13 =	sshllo.u32 s11, $0x1  }
0x1e: {  	s1 =	sshll.u32 s13, $0x6  }
0x1f: {  	s15 =	simm.s32 $0x0;
	s6 =	smul.u32 $0x680, s13;
	s1 =	sadd.s32 s1, s7  }
0x20: {  	[tilespmem:s20], [sflag:$0x2] =	stream.linear.gather [hbm4b:s1+s15], $0x200, $0x38;
	[tilespmem:$0x14EA0] =	vst v63  }
0x21: {  	s18 =	sshra.s32 s6, $0x2  }
0x22: {  	[tilespmem:s21], [sflag:$0x4] =	stream.indirect.gather [hbm4b:s3+s12], $0x40, s18, s12, $0xb8;
	[tilespmem:$0x14EA0] =	vst v63  }
0x23: {  	s6 =	sadd.s32 $0x68, s18  }
0x24: {  	[tilespmem:s22], [sflag:$0x4] =	stream.indirect.gather [hbm4b:s3+s12], $0x40, s6, s12, $0xb8;
	[tilespmem:$0x14EA0] =	vst v63  }
0x25: {  	s19 =	sadd.s32 $0xD0, s18  }
0x26: {  	[tilespmem:s23], [sflag:$0x4] =	stream.indirect.gather [hbm4b:s3+s12], $0x40, s19, s12, $0xb8;
	[tilespmem:$0x14EA0] =	vst v63  }
0x27: {  	s1 =	sadd.s32 $0x138, s18  }
0x28: {  	[tilespmem:s24], [sflag:$0x4] =	stream.indirect.gather [hbm4b:s3+s12], $0x40, s1, s12, $0xb8;
	[tilespmem:$0x14EA0] =	vst v63  }
0x29: {  	_ =	swait.ge [sflag:s25], $0x200  }
0x2a: {  	[sflag:s25] =	ssyncset.done $0x0  }
0x2b: {  	[sflag:s25] =	ssyncadd.s32 $0xFFFFFE00  }
0x2c: {  	_ =	swait.ge [sflag:s26], $0x1900  }
0x2d: {  	[sflag:s26] =	ssyncset.done $0x0  }
0x2e: {  	[sflag:s26] =	ssyncadd.s32 $0xFFFFE700  }
0x2f: {  	_ =	swait.ge [sflag:s26], $0x1900  }
0x30: {  	[sflag:s26] =	ssyncset.done $0x0  }
0x31: {  	[sflag:s26] =	ssyncadd.s32 $0xFFFFE700  }
0x32: {  	_ =	swait.ge [sflag:s26], $0x1900  }
0x33: {  	[sflag:s26] =	ssyncset.done $0x0  }
0x34: {  	[sflag:s26] =	ssyncadd.s32 $0xFFFFE700  }
0x35: {  	_ =	swait.ge [sflag:s26], $0x1900  }
0x36: {  	s14 =	sshll.u32 s11, $0x1;
	[sflag:s26] =	ssyncset.done $0x0  }
0x37: {  	s17 =	simm.s32 $0x6D40;
	v9 =	vimm.f32 $0.0e+00;
	v8 =	vimm.f32 $0.0e+00;
	v10 =	vimm.f32 $0.0e+00;
	s6 =	simm.s32 $0x13450;
	[sflag:s26] =	ssyncadd.s32 $0xFFFFE700  }
.LBB2_3:
0x38: {  	v7 =	vld [tilespmem:s17+$0xFFFFFEC0]  }
0x39: {  	v11 =	vld [tilespmem:s17+$0x60]  }
0x3a: {  	v12 =	vld [tilespmem:s17+$0x70]  }
0x3b: {  	v13 =	vld [tilespmem:s17+$0xC0]  }
0x3c: {  	v19 =	vld [tilespmem:s17+$0xD0]  }
0x3d: {  	v20 =	vld [tilespmem:s17+$0xE0]  }
0x3e: {  	v21 =	vld [tilespmem:s17+$0xF0]  }
0x3f: {  	s1 =	sshll.u32 s15, $0x6;
	v14 =	vld [tilespmem:s17+$0x100]  }
0x40: {  	v33 =	vld [tilespmem:s17+$0x20];
	s1 =	sand.u32 $0x3FFFFFC0, s1  }
0x41: {  	v4 =	vld [tilespmem:s1+$0x6800]  }
0x42: {  	v2 =	vld [tilespmem:s1+$0x6820]  }
0x43: {  	v3 =	vld [tilespmem:s1+$0x6830]  }
0x44: {  	v5 =	vld [tilespmem:s1+$0x6810];
	v17 =	vmul.f32 v7, v7  }
0x45: {  	v15 =	vld [tilespmem:s17+$0x110];
	v23 =	vmul.f32 v11, v11;
	v24 =	vmul.f32 v19, v19  }
0x46: {  	v18 =	vld [tilespmem:s17+$0x120];
	v25 =	vmul.f32 v12, v12;
	v39 =	vmul.f32 v33, v33  }
0x47: {  	v26 =	vld [tilespmem:s17+$0x50];
	v22 =	vmul.f32 v7, v4;
	v7 =	vmul.f32 v20, v20  }
0x48: {  	v28 =	vld [tilespmem:s17+$0x40];
	v20 =	vmul.f32 v20, v2;
	v27 =	vmul.f32 v21, v3  }
0x49: {  	v30 =	vld [tilespmem:s17+$0x30];
	v19 =	vmul.f32 v19, v5;
	v29 =	vmul.f32 v14, v4  }
0x4a: {  	v49 =	vld [tilespmem:s17+$0xFFFFFFF0];
	v31 =	vmul.f32 v13, v4;
	v32 =	vmul.f32 v15, v5  }
0x4b: {  	v36 =	vld [tilespmem:s17+$0xFFFFFFD0];
	v12 =	vmul.f32 v12, v3;
	v11 =	vmul.f32 v11, v2  }
0x4c: {  	v51 =	vld [tilespmem:s17+$0xFFFFFFC0];
	v34 =	vmul.f32 v18, v2;
	v35 =	vmul.f32 v26, v5  }
0x4d: {  	v41 =	vld [tilespmem:s17+$0xFFFFFFB0];
	v21 =	vmul.f32 v21, v21;
	v37 =	vmul.f32 v28, v4  }
0x4e: {  	v43 =	vld [tilespmem:s17+$0xFFFFFF80];
	v26 =	vmul.f32 v26, v26;
	v38 =	vmul.f32 v30, v3  }
0x4f: {  	v55 =	vld [tilespmem:s17+$0xFFFFFF60];
	v30 =	vmul.f32 v30, v30;
	v28 =	vmul.f32 v28, v28  }
0x50: {  	v40 =	vmul.f32 v49, v3;
	v33 =	vmul.f32 v33, v2  }
0x51: {  	v50 =	vld [tilespmem:s17+$0xFFFFFFE0];
	v13 =	vmul.f32 v13, v13;
	v42 =	vmul.f32 v36, v5  }
0x52: {  	v53 =	vmul.f32 v51, v4;
	v36 =	vmul.f32 v36, v36  }
0x53: {  	v16 =	vld [tilespmem:s17+$0x130];
	v23 =	vadd.f32 v25, v23;
	v57 =	vmul.f32 v41, v3;
	v58 =	vmul.f32 v43, v4  }
0x54: {  	v45 =	vld [tilespmem:s17+$0xFFFFFF40];
	v47 =	vmul.f32 v55, v2;
	v20 =	vadd.f32 v27, v20;
	v19 =	vadd.f32 v19, v31  }
0x55: {  	v61 =	vld [tilespmem:s17+$0xFFFFFF10];
	v18 =	vmul.f32 v18, v18;
	v7 =	vadd.f32 v21, v7;
	v35 =	vadd.f32 v35, v37  }
0x56: {  	v21 =	vld [tilespmem:s17+$0x0];
	v11 =	vadd.f32 v12, v11;
	v12 =	vmul.f32 v50, v2;
	v30 =	vadd.f32 v30, v39  }
0x57: {  	v39 =	vld [tilespmem:s17+$0xFFFFFFA0];
	v33 =	vadd.f32 v38, v33;
	v26 =	vadd.f32 v26, v28;
	v27 =	vmul.f32 v49, v49  }
0x58: {  	v28 =	vld [tilespmem:s17+$0xFFFFFF90];
	v37 =	vmul.f32 v51, v51;
	v31 =	vmul.f32 v50, v50;
	v29 =	vadd.f32 v32, v29  }
0x59: {  	v38 =	vld [tilespmem:s17+$0xFFFFFF50];
	v49 =	vmul.f32 v16, v3;
	v50 =	vmul.f32 v45, v4;
	v19 =	vadd.f32 v20, v19  }
0x5a: {  	v62 =	vld [tilespmem:s17+$0xFFFFFF00];
	v32 =	vmul.f32 v61, v61;
	v35 =	vadd.f32 v11, v35;
	v11 =	vadd.f32 v24, v13  }
0x5b: {  	v16 =	vmul.f32 v16, v16;
	v20 =	vld [tilespmem:s17+$0x10];
	v54 =	vadd.f32 v40, v12;
	v24 =	vadd.f32 v42, v53  }
0x5c: {  	v13 =	vld [tilespmem:s17+$0xFFFFFF70];
	v59 =	vadd.f32 v36, v37;
	v40 =	vmul.f32 v55, v55;
	v44 =	vmul.f32 v21, v4  }
0x5d: {  	v36 =	vld [tilespmem:s17+$0xFFFFFF20];
	v34 =	vadd.f32 v49, v34;
	v56 =	vmul.f32 v39, v2;
	v46 =	vmul.f32 v28, v5  }
0x5e: {  	v51 =	vld [tilespmem:s17+$0xFFFFFEE0];
	v16 =	vadd.f32 v16, v18;
	v48 =	vmul.f32 v38, v5;
	v21 =	vmul.f32 v21, v21  }
0x5f: {  	v24 =	vadd.f32 v54, v24;
	v49 =	vmul.f32 v38, v38;
	v28 =	vmul.f32 v28, v28  }
0x60: {  	v29 =	vadd.f32 v34, v29;
	v52 =	vmul.f32 v20, v5;
	v20 =	vmul.f32 v20, v20  }
0x61: {  	v63 =	vld [tilespmem:s17+$0xFFFFFEF0];
	v60 =	vmul.f32 v13, v13;
	v13 =	vmul.f32 v13, v3;
	v42 =	vadd.f32 v57, v56  }
0x62: {  	v53 =	vadd.f32 v48, v50;
	v55 =	vmul.f32 v36, v2;
	v56 =	vmul.f32 v61, v5  }
0x63: {  	v54 =	vld [tilespmem:s17+$0xFFFFFED0];
	v57 =	vmul.f32 v62, v62;
	v61 =	vmul.f32 v51, v51;
	v12 =	vadd.f32 v52, v44  }
0x64: {  	v36 =	vmul.f32 v36, v36;
	v47 =	vadd.f32 v13, v47;
	v13 =	vadd.f32 v27, v31  }
0x65: {  	v50 =	vmul.f32 v43, v43;
	v33 =	vadd.f32 v33, v12;
	v12 =	vadd.f32 v23, v26;
	v23 =	vld [tilespmem:s17+$0xFFFFFF30]  }
0x66: {  	(xrf2) =	vadd.scan.msk.f32 $0xffff, v19;
	v37 =	vadd.f32 v60, v40;
	v19 =	vadd.f32 v20, v21;
	v20 =	vmul.f32 v63, v63  }
0x67: {  	(xrf2) =	vadd.scan.msk.f32 $0xffff, v35;
	v32 =	vadd.f32 v32, v57;
	v60 =	vmul.f32 v63, v3;
	v26 =	vadd.f32 v46, v58  }
0x68: {  	(xrf2) =	vadd.scan.msk.f32 $0xffff, v24;
	v63 =	vmul.f32 v54, v54;
	v28 =	vadd.f32 v28, v50;
	v31 =	vadd.f32 v47, v53  }
0x69: {  	v13 =	vadd.f32 v13, v59;
	v59 =	vmul.f32 v62, v4;
	v62 =	vld [tilespmem:s17+$0x90];
	(xrf2) =	vadd.scan.msk.f32 $0xffff, v33;
	v26 =	vadd.f32 v42, v26  }
0x6a: {  	v58 =	vmul.f32 v51, v2;
	v24 =	vadd.f32 v30, v19;
	v47 =	vld [tilespmem:s17+$0x80];
	(xrf2) =	vadd.scan.msk.f32 $0xffff, v31;
	v52 =	vmul.f32 v23, v3  }
0x6b: {  	v19 =	vmul.f32 v54, v5;
	v20 =	vadd.f32 v20, v61;
	v17 =	vadd.f32 v63, v17;
	v51 =	vld [tilespmem:s17+$0xA0];
	(xrf2) =	vadd.scan.msk.f32 $0xffff, v26  }
0x6c: {  	v46 =	vmul.f32 v45, v45;
	v25 =	vadd.f32 v56, v59;
	v21 =	vadd.f32 v52, v55  }
0x6d: {  	v22 =	vadd.f32 v19, v22;
	v48 =	vadd.f32 v60, v58;
	v19 =	vld [tilespmem:s17+$0xB0];
	v23 =	vmul.f32 v23, v23;
	(xrf2) =	vadd.scan.msk.f32 $0xffff, v29  }
0x6e: {  	v54 =	vmul.f32 v41, v41;
	v27 =	vadd.f32 v49, v46;
	v21 =	vadd.f32 v21, v25  }
0x6f: {  	v53 =	vmul.f32 v62, v5;
	v23 =	vadd.f32 v23, v36;
	v52 =	vmul.f32 v39, v39  }
0x70: {  	v17 =	vadd.f32 v20, v17;
	v20, _, _ =	vpop (xrf2);
	v59 =	vmul.f32 v47, v4;
	v60 =	vmul.f32 v51, v2;
	(xrf2) =	vadd.scan.msk.f32 $0xffff, v21  }
0x71: {  	[tilespmem:s6+$0x30] =	vst v20;
	v62 =	vmul.f32 v62, v62;
	v55, _, _ =	vpop (xrf2);
	v20 =	vadd.f32 v23, v32;
	v25 =	vadd.f32 v54, v52  }
0x72: {  	v57 =	vmul.f32 v19, v3;
	v63 =	vadd.f32 v53, v59;
	v56, _, _ =	vpop (xrf2);
	v21 =	vadd.f32 v48, v22  }
0x73: {  	[tilespmem:s6+$0x10] =	vst v55;
	v10 =	vadd.f32 v20, v10;
	v20 =	vmul.f32 v47, v47;
	v25 =	vadd.f32 v25, v28;
	v58, _, _ =	vpop (xrf2)  }
0x74: {  	v15 =	vmul.f32 v15, v15;
	v23 =	vadd.f32 v37, v27;
	[tilespmem:s6+$0xFFFFFFF0] =	vst v56;
	v61 =	vadd.f32 v57, v60;
	v18, _, _ =	vpop (xrf2)  }
0x75: {  	v9 =	vadd.f32 v25, v9;
	(xrf2) =	vadd.scan.msk.f32 $0xffff, v21;
	v20 =	vadd.f32 v62, v20;
	[tilespmem:s6+$0xFFFFFFD0] =	vst v18;
	v22, _, _ =	vpop (xrf2)  }
0x76: {  	s19 =	simm.s32 $0x0;
	v21 =	vmul.f32 v51, v51;
	v18 =	vadd.f32 v24, v10;
	[tilespmem:s6+$0xFFFFFFE0] =	vst v22;
	v22 =	vadd.f32 v23, v8  }
0x77: {  	s18 =	smov.u32 s6;
	s16 =	smov.u32 s6;
	s1 =	sadd.s32 $0x280, s17;
	[tilespmem:s6+$0x0] =	vst v58;
	v10 =	vmul.f32 v14, v14;
	v23 =	vadd.f32 v61, v63;
	v14, _, _ =	vpop (xrf2);
	v8 =	vmov v6  }
.LBB2_4:
0x78: {  	v6 =	vld [tilespmem:s1+$0xFFFFFEC0];
	s19 =	sadd.s32 $0xA, s19;
	v12 =	vadd.f32 v12, v22;
	v7 =	vadd.f32 v7, v11;
	s18 =	sadd.s32 $0xA0, s18  }
0x79: {  	v17 =	vadd.f32 v17, v8;
	v19 =	vmul.f32 v19, v19;
	v22 =	vadd.f32 v15, v10;
	v11 =	vld [tilespmem:s1+$0x60];
	p0 =	slt.u32 s19, $0x28;
	(xrf2) =	vadd.scan.msk.f32 $0xffff, v23  }
0x7a: {  	v23 =	vld [tilespmem:s1+$0x70];
	v10, _, _ =	vpop (xrf2);
	v8 =	vmov v12  }
0x7b: {  	v13 =	vadd.f32 v13, v17;
	v12 =	vld [tilespmem:s1+$0xC0];
	[tilespmem:s16+$0xFFFFFFC0] =	vst v10;
	v10 =	vadd.f32 v19, v21  }
0x7c: {  	v21 =	vld [tilespmem:s1+$0xD0]  }
0x7d: {  	v19 =	vmul.f32 v6, v4;
	v24 =	vld [tilespmem:s1+$0xE0];
	v15 =	vadd.f32 v10, v20  }
0x7e: {  	v17 =	vmul.f32 v6, v6;
	v20 =	vld [tilespmem:s1+$0xF0];
	[tilespmem:s16+$0x40] =	vst v14  }
0x7f: {  	v10 =	vld [tilespmem:s1+$0x100];
	v6 =	vadd.f32 v15, v9;
	v9, _, _ =	vpop (xrf2)  }
0x80: {  	v15 =	vld [tilespmem:s1+$0x110]  }
0x81: {  	v25 =	vmul.f32 v11, v11;
	v14 =	vadd.f32 v16, v22;
	v26 =	vmul.f32 v21, v21;
	v27 =	vld [tilespmem:s1+$0x120]  }
0x82: {  	v28 =	vmul.f32 v23, v23;
	v22 =	vmul.f32 v24, v24;
	v16 =	vld [tilespmem:s1+$0x130];
	[tilespmem:s16+$0xFFFFFFB0] =	vst v9;
	v9 =	vadd.f32 v7, v13  }
0x83: {  	v14 =	vadd.f32 v14, v18;
	v13 =	vmul.f32 v24, v2;
	v7 =	vld [tilespmem:s1+$0x50];
	v24 =	vmul.f32 v20, v3;
	v18, _, _ =	vpop (xrf2)  }
0x84: {  	v21 =	vmul.f32 v21, v5;
	v29 =	vld [tilespmem:s1+$0x40];
	v30 =	vmul.f32 v10, v4;
	[tilespmem:s16+$0x20] =	vst v18;
	s16 =	smov.u32 s18  }
0x85: {  	v32 =	vmul.f32 v12, v4;
	v31 =	vld [tilespmem:s1+$0x30];
	v13 =	vadd.f32 v24, v13;
	v24 =	vmul.f32 v15, v5  }
0x86: {  	v23 =	vmul.f32 v23, v3;
	v33 =	vld [tilespmem:s1+$0x20];
	v18 =	vmul.f32 v27, v27  }
0x87: {  	v11 =	vmul.f32 v11, v2;
	v32 =	vadd.f32 v21, v32;
	v21 =	vmul.f32 v27, v2;
	v34 =	vld [tilespmem:s1+$0xFFFFFFF0]  }
0x88: {  	v20 =	vmul.f32 v20, v20;
	v27 =	vld [tilespmem:s1+$0xFFFFFFE0];
	v35 =	vmul.f32 v7, v5  }
0x89: {  	v13 =	vadd.f32 v13, v32;
	v38 =	vmul.f32 v7, v7;
	v36 =	vld [tilespmem:s1+$0xFFFFFFD0];
	v37 =	vmul.f32 v29, v4  }
0x8a: {  	v7 =	vadd.f32 v20, v22;
	v32 =	vld [tilespmem:s1+$0x10];
	v39 =	vmul.f32 v31, v3;
	v31 =	vmul.f32 v31, v31  }
0x8b: {  	v29 =	vmul.f32 v29, v29;
	v40 =	vld [tilespmem:s1+$0x0];
	v22 =	vmul.f32 v33, v33;
	v35 =	vadd.f32 v35, v37;
	(xrf2) =	vadd.scan.msk.f32 $0xffff, v13  }
0x8c: {  	v11 =	vadd.f32 v23, v11;
	v33 =	vmul.f32 v33, v2;
	v13 =	vld [tilespmem:s1+$0xFFFFFFC0];
	v37 =	vmul.f32 v34, v3  }
0x8d: {  	v12 =	vmul.f32 v12, v12;
	v20 =	vld [tilespmem:s1+$0xFFFFFFB0];
	v23 =	vmul.f32 v27, v2;
	v31 =	vadd.f32 v31, v22  }
0x8e: {  	v29 =	vadd.f32 v38, v29;
	v33 =	vadd.f32 v39, v33;
	v41 =	vld [tilespmem:s1+$0xFFFFFFA0];
	v42 =	vmul.f32 v36, v5  }
0x8f: {  	v34 =	vmul.f32 v34, v34;
	v35 =	vadd.f32 v11, v35;
	v22 =	vld [tilespmem:s1+$0xFFFFFF90];
	v38 =	vmul.f32 v32, v5  }
0x90: {  	v25 =	vadd.f32 v28, v25;
	v11 =	vadd.f32 v26, v12;
	v39 =	vld [tilespmem:s1+$0xFFFFFF80];
	v43 =	vmul.f32 v40, v4  }
0x91: {  	v28 =	vmul.f32 v36, v36;
	v23 =	vadd.f32 v37, v23;
	v26 =	vld [tilespmem:s1+$0xFFFFFF70];
	v12 =	vmul.f32 v13, v4;
	(xrf2) =	vadd.scan.msk.f32 $0xffff, v35  }
0x92: {  	v32 =	vmul.f32 v32, v32;
	v13 =	vmul.f32 v13, v13;
	v35 =	vld [tilespmem:s1+$0xFFFFFF60];
	v36 =	vadd.f32 v38, v43  }
0x93: {  	v43 =	vmul.f32 v20, v3;
	v37 =	vld [tilespmem:s1+$0xFFFFFF50];
	v38 =	vmul.f32 v41, v2;
	v42 =	vadd.f32 v42, v12  }
0x94: {  	v12 =	vadd.f32 v25, v29;
	v44 =	vld [tilespmem:s1+$0xFFFFFF40];
	v45 =	vmul.f32 v22, v5;
	v33 =	vadd.f32 v33, v36  }
0x95: {  	v13 =	vadd.f32 v28, v13;
	v25 =	vld [tilespmem:s1+$0xFFFFFF30];
	v29 =	vmul.f32 v39, v4;
	v23 =	vadd.f32 v23, v42;
	v28, _, _ =	vpop (xrf2)  }
0x96: {  	v24 =	vadd.f32 v24, v30;
	v27 =	vmul.f32 v27, v27;
	v36 =	vld [tilespmem:s1+$0xFFFFFF20];
	v42 =	vmul.f32 v26, v26;
	[tilespmem:s18+$0x30] =	vst v28  }
0x97: {  	v26 =	vmul.f32 v26, v3;
	v28 =	vld [tilespmem:s1+$0xFFFFFF10];
	v30 =	vmul.f32 v35, v2;
	v29 =	vadd.f32 v45, v29;
	(xrf2) =	vadd.scan.msk.f32 $0xffff, v23  }
0x98: {  	v38 =	vadd.f32 v43, v38;
	v43 =	vmul.f32 v16, v3;
	v23 =	vld [tilespmem:s1+$0xFFFFFF00];
	v45 =	vmul.f32 v37, v5  }
0x99: {  	v46 =	vld [tilespmem:s1+$0xFFFFFEF0];
	v47 =	vmul.f32 v44, v4;
	v26 =	vadd.f32 v26, v30;
	v30 =	vmul.f32 v35, v35  }
0x9a: {  	v27 =	vadd.f32 v34, v27;
	v34 =	vmul.f32 v40, v40;
	v35 =	vld [tilespmem:s1+$0xFFFFFEE0];
	v48 =	vmul.f32 v25, v3  }
0x9b: {  	v40 =	vld [tilespmem:s1+$0xFFFFFED0];
	v49 =	vmul.f32 v36, v2;
	v45 =	vadd.f32 v45, v47;
	v30 =	vadd.f32 v42, v30;
	v42, _, _ =	vpop (xrf2)  }
0x9c: {  	v13 =	vadd.f32 v27, v13;
	v47 =	vmul.f32 v28, v5;
	v28 =	vmul.f32 v28, v28;
	(xrf2) =	vadd.scan.msk.f32 $0xffff, v33  }
0x9d: {  	v32 =	vadd.f32 v32, v34;
	v27 =	vmul.f32 v23, v23;
	v26 =	vadd.f32 v26, v45;
	[tilespmem:s18+$0x10] =	vst v42  }
0x9e: {  	v25 =	vmul.f32 v25, v25;
	v34 =	vadd.f32 v48, v49;
	v33 =	vmul.f32 v46, v46  }
0x9f: {  	v42 =	vmul.f32 v35, v2;
	v27 =	vadd.f32 v28, v27;
	v28 =	vadd.f32 v31, v32;
	(xrf2) =	vadd.scan.msk.f32 $0xffff, v26  }
0xa0: {  	v29 =	vadd.f32 v38, v29;
	v23 =	vmul.f32 v23, v4;
	v26 =	vmul.f32 v40, v5  }
0xa1: {  	v21 =	vadd.f32 v43, v21;
	v31 =	vmul.f32 v46, v3;
	v32 =	vmul.f32 v35, v35;
	v35 =	vld [tilespmem:s1+$0x90];
	v38, _, _ =	vpop (xrf2)  }
0xa2: {  	v36 =	vmul.f32 v36, v36;
	v40 =	vmul.f32 v40, v40;
	v26 =	vadd.f32 v26, v19;
	[tilespmem:s18+$0xFFFFFFF0] =	vst v38;
	v38 =	vld [tilespmem:s1+$0x80]  }
0xa3: {  	v21 =	vadd.f32 v21, v24;
	v32 =	vadd.f32 v33, v32;
	v33 =	vmul.f32 v44, v44;
	(xrf2) =	vadd.scan.msk.f32 $0xffff, v29  }
0xa4: {  	v23 =	vadd.f32 v47, v23;
	v24 =	vadd.f32 v31, v42;
	v29 =	vmul.f32 v37, v37;
	v19 =	vld [tilespmem:s1+$0xB0]  }
0xa5: {  	v25 =	vadd.f32 v25, v36;
	v31 =	vmul.f32 v39, v39;
	v17 =	vadd.f32 v40, v17;
	v36 =	vld [tilespmem:s1+$0xA0]  }
0xa6: {  	v29 =	vadd.f32 v29, v33;
	v33 =	vmul.f32 v41, v41;
	v37 =	vmul.f32 v35, v5;
	v39, _, _ =	vpop (xrf2);
	(xrf2) =	vadd.scan.msk.f32 $0xffff, v21  }
0xa7: {  	v20 =	vmul.f32 v20, v20;
	v17 =	vadd.f32 v32, v17;
	v32 =	vadd.f32 v34, v23  }
0xa8: {  	v22 =	vmul.f32 v22, v22;
	v23 =	vadd.f32 v25, v27;
	v25 =	vadd.f32 v30, v29  }
0xa9: {  	v16 =	vmul.f32 v16, v16;
	v20 =	vadd.f32 v20, v33;
	v27 =	vmul.f32 v19, v3;
	(xrf2) =	vadd.scan.msk.f32 $0xffff, v32;
	v21, _, _ =	vpop (xrf2)  }
0xaa: {  	v15 =	vmul.f32 v15, v15;
	v22 =	vadd.f32 v22, v31;
	v29 =	vmul.f32 v38, v4  }
0xab: {  	v10 =	vmul.f32 v10, v10;
	v16 =	vadd.f32 v16, v18;
	[tilespmem:s18+$0xFFFFFFD0] =	vst v21;
	v21 =	vmul.f32 v36, v2  }
.Ltmp0:
0xac: {  	v24 =	vadd.f32 v24, v26;
	v6 =	vadd.f32 v23, v6;
	v26 =	vmul.f32 v38, v38;
	(pc) =	sbr.rel @p0 .LBB2_4-.Ltmp0, $4  }
0xad: {  	v20 =	vadd.f32 v20, v22;
	[tilespmem:s18+$0x0] =	vst v39;
	v23 =	vadd.f32 v27, v21;
	v27 =	vmul.f32 v35, v35;
	v18, _, _ =	vpop (xrf2)  }
0xae: {  	[tilespmem:s18+$0xFFFFFFE0] =	vst v18;
	v18 =	vadd.f32 v28, v6;
	v6 =	vadd.f32 v37, v29;
	(xrf2) =	vadd.scan.msk.f32 $0xffff, v24  }
0xaf: {  	v22 =	vadd.f32 v25, v9;
	v9 =	vadd.f32 v20, v14;
	v21 =	vmul.f32 v36, v36  }
0xb0: {  	s1 =	sadd.s32 $0x280, s1;
	v20 =	vadd.f32 v27, v26;
	v23 =	vadd.f32 v23, v6;
	v14, _, _ =	vpop (xrf2)  }
0xb1: {  	_ = 	snop  }
0xb2: {  	(xrf2) =	vadd.scan.msk.f32 $0xffff, v23;
	_ =	sdelay $0x2  }
0xb3: {  	v62 =	vmul.f32 v19, v19;
	v7 =	vadd.f32 v7, v11  }
0xb4: {  	v8 =	vadd.f32 v17, v8;
	v2 =	vmul.f32 v2, v2;
	v3 =	vmul.f32 v3, v3  }
0xb5: {  	v4 =	vmul.f32 v4, v4;
	v5 =	vmul.f32 v5, v5;
	s15 =	sadd.s32 $0x1, s15;
	v11 =	vadd.f32 v62, v21  }
0xb6: {  	p0 =	sne.s32 s15, $0x8;
	v2 =	vadd.f32 v3, v2;
	v3 =	vadd.f32 v13, v8  }
.Ltmp1:
0xb7: {  	v10 =	vadd.f32 v15, v10;
	v4 =	vadd.f32 v5, v4;
	(pc) =	sbr.rel @p0 .LBB2_3-.Ltmp1, $4  }
0xb8: {  	v6 =	vadd.f32 v12, v22;
	[tilespmem:s16+$0x40] =	vst v14;
	v63, _, _ =	vpop (xrf2);
	v5 =	vadd.f32 v11, v20  }
0xb9: {  	[tilespmem:s16+$0xFFFFFFC0] =	vst v63;
	v11 =	vadd.f32 v16, v10;
	v2 =	vadd.f32 v2, v4;
	v8, _, _ =	vpop (xrf2)  }
0xba: {  	v10 =	vadd.f32 v5, v9;
	[tilespmem:s16+$0xFFFFFFB0] =	vst v8;
	v8 =	vadd.f32 v7, v3;
	v3, _, _ =	vpop (xrf2)  }
0xbb: {  	s6 =	sadd.s32 $0x320, s6;
	s17 =	sadd.s32 $0xC80, s17;
	v9 =	vadd.f32 v11, v18;
	v1 =	vadd.f32 v2, v1;
	[tilespmem:s16+$0x20] =	vst v3  }
0xbc: {  	s1 =	simm.s32 $0x400  }
0xbd: {  	s6 =	simm.s32 $0x0;
	v2 =	vor.u32 s1, v0  }
0xbe: {  	s8 =	simm.s32 $0x300;
	v3 =	vor.u32 s6, v0  }
0xbf: {  	s16 =	simm.s32 $0x100;
	v4 =	vor.u32 s8, v0  }
0xc0: {  	s15 =	simm.s32 $0x200;
	v7 =	vor.u32 s16, v0  }
0xc1: {  	s17 =	simm.s32 $0x900;
	v5 =	vor.u32 s15, v0  }
0xc2: {  	v12 =	vor.u32 s17, v0;
	v15 =	vld.idx.msk [tilespmem:v2+s28+$0x0], $0xffff  }
0xc3: {  	s18 =	simm.s32 $0x500;
	v3 =	vld.idx.msk [tilespmem:v3+s28+$0x0], $0xffff  }
0xc4: {  	v13 =	vor.u32 s18, v0;
	s17 =	simm.s32 $0x800;
	v2 =	vld.idx.msk [tilespmem:v4+s28+$0x0], $0xffff  }
0xc5: {  	s19 =	simm.s32 $0x700;
	v11 =	vld.idx.msk [tilespmem:v7+s28+$0x0], $0xffff;
	v7 =	vor.u32 s17, v0  }
0xc6: {  	s1 =	simm.s32 $0x14D20;
	s15 =	simm.s32 $0x600;
	s16 =	simm.s32 $0xA;
	v14 =	vor.u32 s19, v0;
	v4 =	vld.idx.msk [tilespmem:v5+s28+$0x0], $0xffff  }
0xc7: {  	s6 =	simm.s32 $0x14D70;
	v5 =	vor.u32 s15, v0;
	s15 =	simm.s32 $0xA00;
	s17 =	simm.s32 $0xE00;
	v12 =	vld.idx.msk [tilespmem:v12+s28+$0x0], $0xffff;
	[tilespmem:s1+$0x20] =	vst v15  }
.LBB2_7:
0xc8: {  	s18 =	sadd.s32 $0x100, s15;
	s16 =	sadd.s32 $0x5, s16  }
0xc9: {  	s19 =	sadd.s32 $0x200, s15;
	s8 =	sadd.s32 $0x300, s15;
	v15 =	vor.u32 s17, v0;
	[tilespmem:s1+$0xFFFFFFE0] =	vst v3;
	v3 =	vld.idx.msk [tilespmem:v13+s28+$0x0], $0xffff;
	v13 =	vor.u32 s15, v0;
	p0 =	slt.u32 s16, $0x14  }
.Ltmp2:
0xca: {  	v18 =	vmovc v2;
	v16 =	vor.u32 s18, v0;
	v17 =	vor.u32 s19, v0;
	v2 =	vld.idx.msk [tilespmem:v7+s28+$0x0], $0xffff;
	v7 =	vor.u32 s8, v0;
	(pc) =	sbr.rel @p0 .LBB2_7-.Ltmp2, $4  }
0xcb: {  	[tilespmem:s1+$0x0] =	vst v4;
	v4 =	vld.idx.msk [tilespmem:v14+s28+$0x0], $0xffff;
	v14 =	vmov v17  }
0xcc: {  	[tilespmem:s1+$0xFFFFFFF0] =	vst v11;
	v11 =	vld.idx.msk [tilespmem:v5+s28+$0x0], $0xffff;
	v5 =	vmov v16  }
0xcd: {  	s15 =	sadd.s32 $0x500, s15;
	[tilespmem:s1+$0x10] =	vst v18;
	s1 =	smov.u32 s6  }
0xce: {  	s17 =	sadd.s32 $0x400, s15;
	s6 =	sadd.s32 $0x50, s6;
	[tilespmem:s1+$0x20] =	vst v12;
	v12 =	vld.idx.msk [tilespmem:v15+s28+$0x0], $0xffff  }
0xcf: {  	_ =	sdelay $0x2  }
0xd0: {  	v15 =	vor.u32 s17, v0  }
0xd1: {  	v16 =	vor.u32 s15, v0;
	s8 =	sadd.s32 $0x200, s15;
	v13 =	vld.idx.msk [tilespmem:v13+s28+$0x0], $0xffff;
	[tilespmem:s1+$0xFFFFFFE0] =	vst v3  }
0xd2: {  	s16 =	sadd.s32 $0x100, s15;
	v14 =	vld.idx.msk [tilespmem:v14+s28+$0x0], $0xffff;
	[tilespmem:s1+$0x10] =	vst v2;
	v3 =	vor.u32 s8, v0  }
0xd3: {  	s15 =	sadd.s32 $0x300, s15;
	v5 =	vld.idx.msk [tilespmem:v5+s28+$0x0], $0xffff;
	[tilespmem:s1+$0x0] =	vst v4;
	v4 =	vor.u32 s16, v0  }
0xd4: {  	v7 =	vld.idx.msk [tilespmem:v7+s28+$0x0], $0xffff;
	[tilespmem:s1+$0xFFFFFFF0] =	vst v11;
	v11 =	vor.u32 s15, v0  }
0xd5: {  	[tilespmem:s6+$0x20] =	vst v12;
	v2 =	vld.idx.msk [tilespmem:v15+s28+$0x0], $0xffff  }
0xd6: {  	v63 =	vld.idx.msk [tilespmem:v16+s28+$0x0], $0xffff;
	[tilespmem:s6+$0xFFFFFFE0] =	vst v13  }
0xd7: {  	[tilespmem:s6+$0x0] =	vst v14;
	v3 =	vld.idx.msk [tilespmem:v3+s28+$0x0], $0xffff  }
0xd8: {  	[tilespmem:s6+$0xFFFFFFF0] =	vst v5;
	v4 =	vld.idx.msk [tilespmem:v4+s28+$0x0], $0xffff  }
0xd9: {  	s17 =	sadd.s32 $0x50, s6;
	s18 =	sshll.u32 s11, $0x4;
	[tilespmem:s6+$0x10] =	vst v7;
	v5 =	vld.idx.msk [tilespmem:v11+s28+$0x0], $0xffff  }
0xda: {  	s6 =	sadd.s32 s5, s18;
	[tilespmem:s17+$0x20] =	vst v2  }
0xdb: {  	s6 =	smul.u32 $0x32, s6;
	[tilespmem:s17+$0xFFFFFFE0] =	vst v63  }
0xdc: {  	[tilespmem:s17+$0x0] =	vst v3  }
0xdd: {  	s6 =	sshrl.u32 s6, $0x3;
	[tilespmem:s17+$0xFFFFFFF0] =	vst v4  }
0xde: {  	p0 =	seq.s32 s11, $0x1F;
	s19 =	sadd.s32 s4, s6;
	[tilespmem:s17+$0x10] =	vst v5  }
0xdf: {  	[hbm4b:s19+s2] =	stream.linear.scatter [tilespmem:s29], [sflag:$0x5], $0x190, $0x38;
	[tilespmem:$0x14EA0] =	vst v63  }
0xe0: {  	s8 =	simm.s32 @!p0 $0x0;
	s1 =	sadd.s32 @!p0 $0x2, s14;
	_ =	swait.ge [sflag:s10], $0x190  }
0xe1: {  	s14 =	simm.s32 @!p0 $0x6800;
	s6 =	sshll.u32 @!p0 s1, $0x6;
	[sflag:s10] =	ssyncset.done $0x0  }
0xe2: {  	s1 =	smul.u32 @!p0 $0x680, s1;
	s6 =	sadd.s32 @!p0 s6, s7;
	[sflag:s10] =	ssyncadd.s32 $0xFFFFFE70  }
0xe3: {  	[tilespmem:s14], [sflag:$0x1] =	stream.linear.gather @!p0 [hbm4b:s6+s8], $0x200, $0x38;
	[tilespmem:$0x14EA0] =	vst v63  }
0xe4: {  	s1 =	sshra.s32 @!p0 s1, $0x2;
	s6 =	simm.s32 @!p0 $0x64;
	s8 =	simm.s32 @!p0 $0x6C00  }
0xe5: {  	[tilespmem:s8], [sflag:$0x3] =	stream.indirect.gather @!p0 [hbm4b:s3+s6], $0x40, s1, s6, $0xb8;
	[tilespmem:$0x14EA0] =	vst v63  }
0xe6: {  	s14 =	simm.s32 @!p0 $0x8500;
	s8 =	sadd.s32 @!p0 $0x68, s1  }
0xe7: {  	[tilespmem:s14], [sflag:$0x3] =	stream.indirect.gather @!p0 [hbm4b:s3+s6], $0x40, s8, s6, $0xb8;
	[tilespmem:$0x14EA0] =	vst v63  }
0xe8: {  	s8 =	sadd.s32 @!p0 $0xD0, s1;
	s14 =	simm.s32 @!p0 $0x9E00  }
0xe9: {  	[tilespmem:s14], [sflag:$0x3] =	stream.indirect.gather @!p0 [hbm4b:s3+s6], $0x40, s8, s6, $0xb8;
	[tilespmem:$0x14EA0] =	vst v63  }
0xea: {  	s1 =	sadd.s32 @!p0 $0x138, s1;
	s8 =	simm.s32 @!p0 $0xB700  }
0xeb: {  	[tilespmem:s8], [sflag:$0x3] =	stream.indirect.gather @!p0 [hbm4b:s3+s6], $0x40, s1, s6, $0xb8;
	[tilespmem:$0x14EA0] =	vst v63  }
0xec: {  	_ =	swait.ge [sflag:s30], $0x200  }
0xed: {  	[sflag:s30] =	ssyncset.done $0x0  }
0xee: {  	[sflag:s30] =	ssyncadd.s32 $0xFFFFFE00  }
0xef: {  	_ =	swait.ge [sflag:s31], $0x1900  }
0xf0: {  	[sflag:s31] =	ssyncset.done $0x0  }
0xf1: {  	[sflag:s31] =	ssyncadd.s32 $0xFFFFE700  }
0xf2: {  	_ =	swait.ge [sflag:s31], $0x1900  }
0xf3: {  	[sflag:s31] =	ssyncset.done $0x0  }
0xf4: {  	[sflag:s31] =	ssyncadd.s32 $0xFFFFE700  }
0xf5: {  	_ =	swait.ge [sflag:s31], $0x1900  }
0xf6: {  	[sflag:s31] =	ssyncset.done $0x0  }
0xf7: {  	[sflag:s31] =	ssyncadd.s32 $0xFFFFE700  }
0xf8: {  	v2 =	vadd.f32 v10, v6;
	v3 =	vadd.f32 v9, v8;
	_ =	swait.ge [sflag:s31], $0x1900  }
0xf9: {  	s16 =	simm.s32 $0x13450;
	v11 =	vimm.f32 $0.0e+00;
	[sflag:s31] =	ssyncset.done $0x0  }
0xfa: {  	s15 =	simm.s32 $0xD000;
	v8 =	vimm.f32 $0.0e+00;
	v9 =	vimm.f32 $0.0e+00;
	v7 =	vadd.f32 v3, v2;
	s14 =	simm.s32 $0x0;
	[sflag:s31] =	ssyncadd.s32 $0xFFFFE700  }
.LBB2_9:
0xfb: {  	v6 =	vld [tilespmem:s15+$0x0]  }
0xfc: {  	v10 =	vld [tilespmem:s15+$0x1A0]  }
0xfd: {  	v12 =	vld [tilespmem:s15+$0x1B0]  }
0xfe: {  	v13 =	vld [tilespmem:s15+$0x200]  }
0xff: {  	v19 =	vld [tilespmem:s15+$0x210]  }
0x100: {  	v20 =	vld [tilespmem:s15+$0x220]  }
0x101: {  	v21 =	vld [tilespmem:s15+$0x230]  }
0x102: {  	s1 =	sshll.u32 s14, $0x6;
	v14 =	vld [tilespmem:s15+$0x240]  }
0x103: {  	v33 =	vld [tilespmem:s15+$0x160];
	s1 =	sand.u32 $0x3FFFFFC0, s1  }
0x104: {  	v4 =	vld [tilespmem:s1+$0x6A00]  }
0x105: {  	v2 =	vld [tilespmem:s1+$0x6A20]  }
0x106: {  	v3 =	vld [tilespmem:s1+$0x6A30]  }
0x107: {  	v5 =	vld [tilespmem:s1+$0x6A10];
	v17 =	vmul.f32 v6, v6  }
0x108: {  	v15 =	vld [tilespmem:s15+$0x250];
	v23 =	vmul.f32 v10, v10;
	v24 =	vmul.f32 v19, v19  }
0x109: {  	v18 =	vld [tilespmem:s15+$0x260];
	v25 =	vmul.f32 v12, v12;
	v39 =	vmul.f32 v33, v33  }
0x10a: {  	v26 =	vld [tilespmem:s15+$0x190];
	v22 =	vmul.f32 v6, v4;
	v6 =	vmul.f32 v20, v20  }
0x10b: {  	v28 =	vld [tilespmem:s15+$0x180];
	v20 =	vmul.f32 v20, v2;
	v27 =	vmul.f32 v21, v3  }
0x10c: {  	v30 =	vld [tilespmem:s15+$0x170];
	v19 =	vmul.f32 v19, v5;
	v29 =	vmul.f32 v14, v4  }
0x10d: {  	v49 =	vld [tilespmem:s15+$0x130];
	v31 =	vmul.f32 v13, v4;
	v32 =	vmul.f32 v15, v5  }
0x10e: {  	v36 =	vld [tilespmem:s15+$0x110];
	v12 =	vmul.f32 v12, v3;
	v10 =	vmul.f32 v10, v2  }
0x10f: {  	v51 =	vld [tilespmem:s15+$0x100];
	v34 =	vmul.f32 v18, v2;
	v35 =	vmul.f32 v26, v5  }
0x110: {  	v41 =	vld [tilespmem:s15+$0xF0];
	v21 =	vmul.f32 v21, v21;
	v37 =	vmul.f32 v28, v4  }
0x111: {  	v43 =	vld [tilespmem:s15+$0xC0];
	v26 =	vmul.f32 v26, v26;
	v38 =	vmul.f32 v30, v3  }
0x112: {  	v55 =	vld [tilespmem:s15+$0xA0];
	v30 =	vmul.f32 v30, v30;
	v28 =	vmul.f32 v28, v28  }
0x113: {  	v40 =	vmul.f32 v49, v3;
	v33 =	vmul.f32 v33, v2  }
0x114: {  	v50 =	vld [tilespmem:s15+$0x120];
	v13 =	vmul.f32 v13, v13;
	v42 =	vmul.f32 v36, v5  }
0x115: {  	v53 =	vmul.f32 v51, v4;
	v36 =	vmul.f32 v36, v36  }
0x116: {  	v16 =	vld [tilespmem:s15+$0x270];
	v23 =	vadd.f32 v25, v23;
	v57 =	vmul.f32 v41, v3;
	v58 =	vmul.f32 v43, v4  }
0x117: {  	v45 =	vld [tilespmem:s15+$0x80];
	v47 =	vmul.f32 v55, v2;
	v20 =	vadd.f32 v27, v20;
	v19 =	vadd.f32 v19, v31  }
0x118: {  	v61 =	vld [tilespmem:s15+$0x50];
	v18 =	vmul.f32 v18, v18;
	v6 =	vadd.f32 v21, v6;
	v35 =	vadd.f32 v35, v37  }
0x119: {  	v21 =	vld [tilespmem:s15+$0x140];
	v10 =	vadd.f32 v12, v10;
	v12 =	vmul.f32 v50, v2;
	v30 =	vadd.f32 v30, v39  }
0x11a: {  	v39 =	vld [tilespmem:s15+$0xE0];
	v33 =	vadd.f32 v38, v33;
	v26 =	vadd.f32 v26, v28;
	v27 =	vmul.f32 v49, v49  }
0x11b: {  	v28 =	vld [tilespmem:s15+$0xD0];
	v37 =	vmul.f32 v51, v51;
	v31 =	vmul.f32 v50, v50;
	v29 =	vadd.f32 v32, v29  }
0x11c: {  	v38 =	vld [tilespmem:s15+$0x90];
	v49 =	vmul.f32 v16, v3;
	v50 =	vmul.f32 v45, v4;
	v19 =	vadd.f32 v20, v19  }
0x11d: {  	v62 =	vld [tilespmem:s15+$0x40];
	v32 =	vmul.f32 v61, v61;
	v35 =	vadd.f32 v10, v35;
	v10 =	vadd.f32 v24, v13  }
0x11e: {  	v16 =	vmul.f32 v16, v16;
	v20 =	vld [tilespmem:s15+$0x150];
	v54 =	vadd.f32 v40, v12;
	v24 =	vadd.f32 v42, v53  }
0x11f: {  	v13 =	vld [tilespmem:s15+$0xB0];
	v59 =	vadd.f32 v36, v37;
	v40 =	vmul.f32 v55, v55;
	v44 =	vmul.f32 v21, v4  }
0x120: {  	v36 =	vld [tilespmem:s15+$0x60];
	v34 =	vadd.f32 v49, v34;
	v56 =	vmul.f32 v39, v2;
	v46 =	vmul.f32 v28, v5  }
0x121: {  	v51 =	vld [tilespmem:s15+$0x20];
	v16 =	vadd.f32 v16, v18;
	v48 =	vmul.f32 v38, v5;
	v21 =	vmul.f32 v21, v21  }
0x122: {  	v24 =	vadd.f32 v54, v24;
	v49 =	vmul.f32 v38, v38;
	v28 =	vmul.f32 v28, v28  }
0x123: {  	v29 =	vadd.f32 v34, v29;
	v52 =	vmul.f32 v20, v5;
	v20 =	vmul.f32 v20, v20  }
0x124: {  	v63 =	vld [tilespmem:s15+$0x30];
	v60 =	vmul.f32 v13, v13;
	v13 =	vmul.f32 v13, v3;
	v42 =	vadd.f32 v57, v56  }
0x125: {  	v53 =	vadd.f32 v48, v50;
	v55 =	vmul.f32 v36, v2;
	v56 =	vmul.f32 v61, v5  }
0x126: {  	v54 =	vld [tilespmem:s15+$0x10];
	v57 =	vmul.f32 v62, v62;
	v61 =	vmul.f32 v51, v51;
	v12 =	vadd.f32 v52, v44  }
0x127: {  	v36 =	vmul.f32 v36, v36;
	v47 =	vadd.f32 v13, v47;
	v13 =	vadd.f32 v27, v31  }
0x128: {  	v50 =	vmul.f32 v43, v43;
	v33 =	vadd.f32 v33, v12;
	v12 =	vadd.f32 v23, v26;
	v23 =	vld [tilespmem:s15+$0x70]  }
0x129: {  	(xrf2) =	vadd.scan.msk.f32 $0xffff, v19;
	v37 =	vadd.f32 v60, v40;
	v19 =	vadd.f32 v20, v21;
	v20 =	vmul.f32 v63, v63  }
0x12a: {  	(xrf2) =	vadd.scan.msk.f32 $0xffff, v35;
	v32 =	vadd.f32 v32, v57;
	v60 =	vmul.f32 v63, v3;
	v26 =	vadd.f32 v46, v58  }
0x12b: {  	(xrf2) =	vadd.scan.msk.f32 $0xffff, v24;
	v63 =	vmul.f32 v54, v54;
	v28 =	vadd.f32 v28, v50;
	v31 =	vadd.f32 v47, v53  }
0x12c: {  	v13 =	vadd.f32 v13, v59;
	v59 =	vmul.f32 v62, v4;
	v62 =	vld [tilespmem:s15+$0x1D0];
	(xrf2) =	vadd.scan.msk.f32 $0xffff, v33;
	v26 =	vadd.f32 v42, v26  }
0x12d: {  	v58 =	vmul.f32 v51, v2;
	v24 =	vadd.f32 v30, v19;
	v47 =	vld [tilespmem:s15+$0x1C0];
	(xrf2) =	vadd.scan.msk.f32 $0xffff, v31;
	v52 =	vmul.f32 v23, v3  }
0x12e: {  	v19 =	vmul.f32 v54, v5;
	v20 =	vadd.f32 v20, v61;
	v17 =	vadd.f32 v63, v17;
	v51 =	vld [tilespmem:s15+$0x1E0];
	(xrf2) =	vadd.scan.msk.f32 $0xffff, v26  }
0x12f: {  	v46 =	vmul.f32 v45, v45;
	v25 =	vadd.f32 v56, v59;
	v21 =	vadd.f32 v52, v55  }
0x130: {  	v22 =	vadd.f32 v19, v22;
	v48 =	vadd.f32 v60, v58;
	v19 =	vld [tilespmem:s15+$0x1F0];
	v23 =	vmul.f32 v23, v23;
	(xrf2) =	vadd.scan.msk.f32 $0xffff, v29  }
0x131: {  	v54 =	vmul.f32 v41, v41;
	v27 =	vadd.f32 v49, v46;
	v21 =	vadd.f32 v21, v25  }
0x132: {  	v53 =	vmul.f32 v62, v5;
	v59 =	vmul.f32 v47, v4;
	v23 =	vadd.f32 v23, v36  }
0x133: {  	v17 =	vadd.f32 v20, v17;
	v20, _, _ =	vpop (xrf2);
	v60 =	vmul.f32 v51, v2;
	v52 =	vmul.f32 v39, v39;
	(xrf2) =	vadd.scan.msk.f32 $0xffff, v21  }
0x134: {  	[tilespmem:s16+$0x30] =	vst v20;
	v62 =	vmul.f32 v62, v62;
	v55, _, _ =	vpop (xrf2);
	v63 =	vadd.f32 v53, v59;
	v20 =	vadd.f32 v23, v32  }
0x135: {  	v57 =	vmul.f32 v19, v3;
	v56, _, _ =	vpop (xrf2);
	v23 =	vadd.f32 v37, v27;
	v25 =	vadd.f32 v54, v52  }
0x136: {  	[tilespmem:s16+$0x10] =	vst v55;
	v21 =	vadd.f32 v48, v22;
	v11 =	vadd.f32 v20, v11;
	v20 =	vmul.f32 v47, v47;
	v58, _, _ =	vpop (xrf2)  }
0x137: {  	v15 =	vmul.f32 v15, v15;
	[tilespmem:s16+$0xFFFFFFF0] =	vst v56;
	v61 =	vadd.f32 v57, v60;
	v25 =	vadd.f32 v25, v28;
	v18, _, _ =	vpop (xrf2)  }
0x138: {  	(xrf2) =	vadd.scan.msk.f32 $0xffff, v21;
	v21 =	vmul.f32 v51, v51;
	v20 =	vadd.f32 v62, v20;
	[tilespmem:s16+$0xFFFFFFD0] =	vst v18;
	v22, _, _ =	vpop (xrf2)  }
0x139: {  	s18 =	simm.s32 $0x0;
	v18 =	vadd.f32 v24, v11;
	v11 =	vmul.f32 v14, v14;
	[tilespmem:s16+$0xFFFFFFE0] =	vst v22;
	v22 =	vadd.f32 v23, v9  }
0x13a: {  	s6 =	smov.u32 s16;
	s17 =	smov.u32 s16;
	s1 =	sadd.s32 $0x280, s15;
	[tilespmem:s16+$0x0] =	vst v58;
	v9 =	vadd.f32 v25, v8;
	v23 =	vadd.f32 v61, v63;
	v14, _, _ =	vpop (xrf2);
	v8 =	vmov v7  }
.LBB2_10:
0x13b: {  	v7 =	vld [tilespmem:s1+$0x0];
	s18 =	sadd.s32 $0xA, s18;
	v12 =	vadd.f32 v12, v22;
	v6 =	vadd.f32 v6, v10;
	s6 =	sadd.s32 $0xA0, s6  }
0x13c: {  	v17 =	vadd.f32 v17, v8;
	v19 =	vmul.f32 v19, v19;
	v22 =	vadd.f32 v15, v11;
	v10 =	vld [tilespmem:s1+$0x1A0];
	p0 =	slt.u32 s18, $0x28;
	(xrf2) =	vadd.scan.msk.f32 $0xffff, v23  }
0x13d: {  	v23 =	vld [tilespmem:s1+$0x1B0];
	v11, _, _ =	vpop (xrf2);
	v8 =	vmov v12  }
0x13e: {  	v13 =	vadd.f32 v13, v17;
	v12 =	vld [tilespmem:s1+$0x200];
	[tilespmem:s17+$0xFFFFFFC0] =	vst v11;
	v11 =	vadd.f32 v19, v21  }
0x13f: {  	v21 =	vld [tilespmem:s1+$0x210]  }
0x140: {  	v19 =	vmul.f32 v7, v4;
	v24 =	vld [tilespmem:s1+$0x220];
	v15 =	vadd.f32 v11, v20  }
0x141: {  	v17 =	vmul.f32 v7, v7;
	v20 =	vld [tilespmem:s1+$0x230];
	[tilespmem:s17+$0x40] =	vst v14  }
0x142: {  	v11 =	vld [tilespmem:s1+$0x240];
	v7 =	vadd.f32 v15, v9;
	v9, _, _ =	vpop (xrf2)  }
0x143: {  	v15 =	vld [tilespmem:s1+$0x250]  }
0x144: {  	v25 =	vmul.f32 v10, v10;
	v14 =	vadd.f32 v16, v22;
	v26 =	vmul.f32 v21, v21;
	v27 =	vld [tilespmem:s1+$0x260]  }
0x145: {  	v28 =	vmul.f32 v23, v23;
	v22 =	vmul.f32 v24, v24;
	v16 =	vld [tilespmem:s1+$0x270];
	[tilespmem:s17+$0xFFFFFFB0] =	vst v9;
	v9 =	vadd.f32 v6, v13  }
0x146: {  	v14 =	vadd.f32 v14, v18;
	v13 =	vmul.f32 v24, v2;
	v6 =	vld [tilespmem:s1+$0x190];
	v24 =	vmul.f32 v20, v3;
	v18, _, _ =	vpop (xrf2)  }
0x147: {  	v21 =	vmul.f32 v21, v5;
	v29 =	vld [tilespmem:s1+$0x180];
	v30 =	vmul.f32 v11, v4;
	[tilespmem:s17+$0x20] =	vst v18;
	s17 =	smov.u32 s6  }
0x148: {  	v32 =	vmul.f32 v12, v4;
	v31 =	vld [tilespmem:s1+$0x170];
	v13 =	vadd.f32 v24, v13;
	v24 =	vmul.f32 v15, v5  }
0x149: {  	v23 =	vmul.f32 v23, v3;
	v33 =	vld [tilespmem:s1+$0x160];
	v18 =	vmul.f32 v27, v27  }
0x14a: {  	v10 =	vmul.f32 v10, v2;
	v32 =	vadd.f32 v21, v32;
	v21 =	vmul.f32 v27, v2;
	v34 =	vld [tilespmem:s1+$0x130]  }
0x14b: {  	v20 =	vmul.f32 v20, v20;
	v27 =	vld [tilespmem:s1+$0x120];
	v35 =	vmul.f32 v6, v5  }
0x14c: {  	v13 =	vadd.f32 v13, v32;
	v38 =	vmul.f32 v6, v6;
	v36 =	vld [tilespmem:s1+$0x110];
	v37 =	vmul.f32 v29, v4  }
0x14d: {  	v6 =	vadd.f32 v20, v22;
	v32 =	vld [tilespmem:s1+$0x150];
	v39 =	vmul.f32 v31, v3;
	v31 =	vmul.f32 v31, v31  }
0x14e: {  	v29 =	vmul.f32 v29, v29;
	v40 =	vld [tilespmem:s1+$0x140];
	v22 =	vmul.f32 v33, v33;
	v35 =	vadd.f32 v35, v37;
	(xrf2) =	vadd.scan.msk.f32 $0xffff, v13  }
0x14f: {  	v10 =	vadd.f32 v23, v10;
	v33 =	vmul.f32 v33, v2;
	v13 =	vld [tilespmem:s1+$0x100];
	v37 =	vmul.f32 v34, v3  }
0x150: {  	v12 =	vmul.f32 v12, v12;
	v20 =	vld [tilespmem:s1+$0xF0];
	v23 =	vmul.f32 v27, v2;
	v31 =	vadd.f32 v31, v22  }
0x151: {  	v29 =	vadd.f32 v38, v29;
	v33 =	vadd.f32 v39, v33;
	v41 =	vld [tilespmem:s1+$0xE0];
	v42 =	vmul.f32 v36, v5  }
0x152: {  	v34 =	vmul.f32 v34, v34;
	v35 =	vadd.f32 v10, v35;
	v22 =	vld [tilespmem:s1+$0xD0];
	v38 =	vmul.f32 v32, v5  }
0x153: {  	v25 =	vadd.f32 v28, v25;
	v10 =	vadd.f32 v26, v12;
	v39 =	vld [tilespmem:s1+$0xC0];
	v43 =	vmul.f32 v40, v4  }
0x154: {  	v28 =	vmul.f32 v36, v36;
	v23 =	vadd.f32 v37, v23;
	v26 =	vld [tilespmem:s1+$0xB0];
	v12 =	vmul.f32 v13, v4;
	(xrf2) =	vadd.scan.msk.f32 $0xffff, v35  }
0x155: {  	v32 =	vmul.f32 v32, v32;
	v13 =	vmul.f32 v13, v13;
	v35 =	vld [tilespmem:s1+$0xA0];
	v36 =	vadd.f32 v38, v43  }
0x156: {  	v43 =	vmul.f32 v20, v3;
	v37 =	vld [tilespmem:s1+$0x90];
	v38 =	vmul.f32 v41, v2;
	v42 =	vadd.f32 v42, v12  }
0x157: {  	v12 =	vadd.f32 v25, v29;
	v44 =	vld [tilespmem:s1+$0x80];
	v45 =	vmul.f32 v22, v5;
	v33 =	vadd.f32 v33, v36  }
0x158: {  	v13 =	vadd.f32 v28, v13;
	v25 =	vld [tilespmem:s1+$0x70];
	v29 =	vmul.f32 v39, v4;
	v23 =	vadd.f32 v23, v42;
	v28, _, _ =	vpop (xrf2)  }
0x159: {  	v24 =	vadd.f32 v24, v30;
	v27 =	vmul.f32 v27, v27;
	v36 =	vld [tilespmem:s1+$0x60];
	v42 =	vmul.f32 v26, v26;
	[tilespmem:s6+$0x30] =	vst v28  }
0x15a: {  	v26 =	vmul.f32 v26, v3;
	v28 =	vld [tilespmem:s1+$0x50];
	v30 =	vmul.f32 v35, v2;
	v29 =	vadd.f32 v45, v29;
	(xrf2) =	vadd.scan.msk.f32 $0xffff, v23  }
0x15b: {  	v38 =	vadd.f32 v43, v38;
	v43 =	vmul.f32 v16, v3;
	v23 =	vld [tilespmem:s1+$0x40];
	v45 =	vmul.f32 v37, v5  }
0x15c: {  	v46 =	vld [tilespmem:s1+$0x30];
	v47 =	vmul.f32 v44, v4;
	v26 =	vadd.f32 v26, v30;
	v30 =	vmul.f32 v35, v35  }
0x15d: {  	v27 =	vadd.f32 v34, v27;
	v34 =	vmul.f32 v40, v40;
	v35 =	vld [tilespmem:s1+$0x20];
	v48 =	vmul.f32 v25, v3  }
0x15e: {  	v40 =	vld [tilespmem:s1+$0x10];
	v49 =	vmul.f32 v36, v2;
	v45 =	vadd.f32 v45, v47;
	v30 =	vadd.f32 v42, v30;
	v42, _, _ =	vpop (xrf2)  }
0x15f: {  	v13 =	vadd.f32 v27, v13;
	v47 =	vmul.f32 v28, v5;
	v28 =	vmul.f32 v28, v28;
	(xrf2) =	vadd.scan.msk.f32 $0xffff, v33  }
0x160: {  	v32 =	vadd.f32 v32, v34;
	v27 =	vmul.f32 v23, v23;
	v26 =	vadd.f32 v26, v45;
	[tilespmem:s6+$0x10] =	vst v42  }
0x161: {  	v25 =	vmul.f32 v25, v25;
	v34 =	vadd.f32 v48, v49;
	v33 =	vmul.f32 v46, v46  }
0x162: {  	v42 =	vmul.f32 v35, v2;
	v27 =	vadd.f32 v28, v27;
	v28 =	vadd.f32 v31, v32;
	(xrf2) =	vadd.scan.msk.f32 $0xffff, v26  }
0x163: {  	v29 =	vadd.f32 v38, v29;
	v23 =	vmul.f32 v23, v4;
	v26 =	vmul.f32 v40, v5  }
0x164: {  	v21 =	vadd.f32 v43, v21;
	v31 =	vmul.f32 v46, v3;
	v32 =	vmul.f32 v35, v35;
	v35 =	vld [tilespmem:s1+$0x1D0];
	v38, _, _ =	vpop (xrf2)  }
0x165: {  	v36 =	vmul.f32 v36, v36;
	v40 =	vmul.f32 v40, v40;
	v26 =	vadd.f32 v26, v19;
	[tilespmem:s6+$0xFFFFFFF0] =	vst v38;
	v38 =	vld [tilespmem:s1+$0x1C0]  }
0x166: {  	v21 =	vadd.f32 v21, v24;
	v32 =	vadd.f32 v33, v32;
	v33 =	vmul.f32 v44, v44;
	(xrf2) =	vadd.scan.msk.f32 $0xffff, v29  }
0x167: {  	v23 =	vadd.f32 v47, v23;
	v24 =	vadd.f32 v31, v42;
	v29 =	vmul.f32 v37, v37;
	v19 =	vld [tilespmem:s1+$0x1F0]  }
0x168: {  	v25 =	vadd.f32 v25, v36;
	v31 =	vmul.f32 v39, v39;
	v17 =	vadd.f32 v40, v17;
	v36 =	vld [tilespmem:s1+$0x1E0]  }
0x169: {  	v29 =	vadd.f32 v29, v33;
	v33 =	vmul.f32 v41, v41;
	v37 =	vmul.f32 v35, v5;
	v39, _, _ =	vpop (xrf2);
	(xrf2) =	vadd.scan.msk.f32 $0xffff, v21  }
0x16a: {  	v20 =	vmul.f32 v20, v20;
	v17 =	vadd.f32 v32, v17;
	v32 =	vadd.f32 v34, v23  }
0x16b: {  	v22 =	vmul.f32 v22, v22;
	v23 =	vadd.f32 v25, v27;
	v25 =	vadd.f32 v30, v29  }
0x16c: {  	v16 =	vmul.f32 v16, v16;
	v20 =	vadd.f32 v20, v33;
	v27 =	vmul.f32 v19, v3;
	(xrf2) =	vadd.scan.msk.f32 $0xffff, v32;
	v21, _, _ =	vpop (xrf2)  }
0x16d: {  	v15 =	vmul.f32 v15, v15;
	v22 =	vadd.f32 v22, v31;
	v29 =	vmul.f32 v38, v4  }
0x16e: {  	v11 =	vmul.f32 v11, v11;
	v16 =	vadd.f32 v16, v18;
	[tilespmem:s6+$0xFFFFFFD0] =	vst v21;
	v21 =	vmul.f32 v36, v2  }
.Ltmp3:
0x16f: {  	v24 =	vadd.f32 v24, v26;
	v7 =	vadd.f32 v23, v7;
	v26 =	vmul.f32 v38, v38;
	(pc) =	sbr.rel @p0 .LBB2_10-.Ltmp3, $4  }
0x170: {  	v20 =	vadd.f32 v20, v22;
	[tilespmem:s6+$0x0] =	vst v39;
	v23 =	vadd.f32 v27, v21;
	v27 =	vmul.f32 v35, v35;
	v18, _, _ =	vpop (xrf2)  }
0x171: {  	[tilespmem:s6+$0xFFFFFFE0] =	vst v18;
	v18 =	vadd.f32 v28, v7;
	v7 =	vadd.f32 v37, v29;
	(xrf2) =	vadd.scan.msk.f32 $0xffff, v24  }
0x172: {  	v22 =	vadd.f32 v25, v9;
	v9 =	vadd.f32 v20, v14;
	v21 =	vmul.f32 v36, v36  }
0x173: {  	s1 =	sadd.s32 $0x280, s1;
	v20 =	vadd.f32 v27, v26;
	v23 =	vadd.f32 v23, v7;
	v14, _, _ =	vpop (xrf2)  }
0x174: {  	_ = 	snop  }
0x175: {  	(xrf2) =	vadd.scan.msk.f32 $0xffff, v23;
	_ =	sdelay $0x2  }
0x176: {  	v62 =	vmul.f32 v19, v19;
	v6 =	vadd.f32 v6, v10;
	v4 =	vmul.f32 v4, v4  }
0x177: {  	v8 =	vadd.f32 v17, v8;
	v2 =	vmul.f32 v2, v2;
	v3 =	vmul.f32 v3, v3  }
0x178: {  	v5 =	vmul.f32 v5, v5;
	v10 =	vadd.f32 v15, v11;
	s14 =	sadd.s32 $0x1, s14;
	v11 =	vadd.f32 v62, v21  }
0x179: {  	p0 =	sne.s32 s14, $0x8;
	v2 =	vadd.f32 v3, v2;
	v3 =	vadd.f32 v13, v8  }
.Ltmp4:
0x17a: {  	v4 =	vadd.f32 v5, v4;
	(pc) =	sbr.rel @p0 .LBB2_9-.Ltmp4, $4  }
0x17b: {  	v7 =	vadd.f32 v12, v22;
	[tilespmem:s17+$0x40] =	vst v14;
	v63, _, _ =	vpop (xrf2);
	v5 =	vadd.f32 v11, v20  }
0x17c: {  	v10 =	vadd.f32 v16, v10;
	[tilespmem:s17+$0xFFFFFFC0] =	vst v63;
	v2 =	vadd.f32 v2, v4;
	v8, _, _ =	vpop (xrf2)  }
0x17d: {  	v11 =	vadd.f32 v5, v9;
	v9 =	vadd.f32 v6, v3;
	[tilespmem:s17+$0xFFFFFFB0] =	vst v8;
	v3, _, _ =	vpop (xrf2)  }
0x17e: {  	s15 =	sadd.s32 $0xC80, s15;
	s16 =	sadd.s32 $0x320, s16;
	v1 =	vadd.f32 v2, v1;
	v8 =	vadd.f32 v10, v18;
	[tilespmem:s17+$0x20] =	vst v3  }
0x17f: {  	s1 =	simm.s32 $0x400  }
0x180: {  	s6 =	simm.s32 $0x0;
	v2 =	vor.u32 s1, v0  }
0x181: {  	s14 =	simm.s32 $0x300;
	v3 =	vor.u32 s6, v0  }
0x182: {  	s16 =	simm.s32 $0x100;
	v4 =	vor.u32 s14, v0  }
0x183: {  	s15 =	simm.s32 $0x200;
	v6 =	vor.u32 s16, v0  }
0x184: {  	s17 =	simm.s32 $0x900;
	v5 =	vor.u32 s15, v0  }
0x185: {  	v12 =	vor.u32 s17, v0;
	v15 =	vld.idx.msk [tilespmem:v2+s28+$0x0], $0xffff  }
0x186: {  	s18 =	simm.s32 $0x500;
	v3 =	vld.idx.msk [tilespmem:v3+s28+$0x0], $0xffff  }
0x187: {  	v13 =	vor.u32 s18, v0;
	s14 =	simm.s32 $0x800;
	v2 =	vld.idx.msk [tilespmem:v4+s28+$0x0], $0xffff  }
0x188: {  	s19 =	simm.s32 $0x700;
	v10 =	vld.idx.msk [tilespmem:v6+s28+$0x0], $0xffff;
	v6 =	vor.u32 s14, v0  }
0x189: {  	s8 =	simm.s32 $0x600;
	s1 =	simm.s32 $0x14D20;
	s15 =	simm.s32 $0xA;
	v14 =	vor.u32 s19, v0;
	v4 =	vld.idx.msk [tilespmem:v5+s28+$0x0], $0xffff  }
0x18a: {  	s16 =	simm.s32 $0xE00;
	s6 =	simm.s32 $0x14D70;
	v5 =	vor.u32 s8, v0;
	s14 =	simm.s32 $0xA00;
	v12 =	vld.idx.msk [tilespmem:v12+s28+$0x0], $0xffff;
	[tilespmem:s1+$0x20] =	vst v15  }
.LBB2_13:
0x18b: {  	s8 =	sadd.s32 $0x100, s14;
	s15 =	sadd.s32 $0x5, s15  }
0x18c: {  	s17 =	sadd.s32 $0x200, s14;
	s18 =	sadd.s32 $0x300, s14;
	v15 =	vor.u32 s16, v0;
	[tilespmem:s1+$0xFFFFFFE0] =	vst v3;
	v3 =	vld.idx.msk [tilespmem:v13+s28+$0x0], $0xffff;
	v13 =	vor.u32 s14, v0;
	p0 =	slt.u32 s15, $0x14  }
.Ltmp5:
0x18d: {  	v18 =	vmovc v2;
	v16 =	vor.u32 s8, v0;
	v17 =	vor.u32 s17, v0;
	v2 =	vld.idx.msk [tilespmem:v6+s28+$0x0], $0xffff;
	v6 =	vor.u32 s18, v0;
	(pc) =	sbr.rel @p0 .LBB2_13-.Ltmp5, $4  }
0x18e: {  	[tilespmem:s1+$0x0] =	vst v4;
	v4 =	vld.idx.msk [tilespmem:v14+s28+$0x0], $0xffff;
	v14 =	vmov v17  }
0x18f: {  	[tilespmem:s1+$0xFFFFFFF0] =	vst v10;
	v10 =	vld.idx.msk [tilespmem:v5+s28+$0x0], $0xffff;
	v5 =	vmov v16  }
0x190: {  	s14 =	sadd.s32 $0x500, s14;
	[tilespmem:s1+$0x10] =	vst v18;
	s1 =	smov.u32 s6  }
0x191: {  	s16 =	sadd.s32 $0x400, s14;
	s6 =	sadd.s32 $0x50, s6;
	[tilespmem:s1+$0x20] =	vst v12;
	v12 =	vld.idx.msk [tilespmem:v15+s28+$0x0], $0xffff  }
0x192: {  	_ =	sdelay $0x2  }
0x193: {  	v15 =	vor.u32 s16, v0  }
0x194: {  	v16 =	vor.u32 s14, v0;
	s8 =	sadd.s32 $0x200, s14;
	v13 =	vld.idx.msk [tilespmem:v13+s28+$0x0], $0xffff;
	[tilespmem:s1+$0xFFFFFFE0] =	vst v3  }
0x195: {  	s15 =	sadd.s32 $0x100, s14;
	v14 =	vld.idx.msk [tilespmem:v14+s28+$0x0], $0xffff;
	[tilespmem:s1+$0x10] =	vst v2;
	v3 =	vor.u32 s8, v0  }
0x196: {  	s16 =	sadd.s32 $0x300, s14;
	v5 =	vld.idx.msk [tilespmem:v5+s28+$0x0], $0xffff;
	[tilespmem:s1+$0x0] =	vst v4;
	v4 =	vor.u32 s15, v0  }
0x197: {  	v6 =	vld.idx.msk [tilespmem:v6+s28+$0x0], $0xffff;
	v62 =	vor.u32 s16, v0;
	[tilespmem:s1+$0xFFFFFFF0] =	vst v10  }
0x198: {  	[tilespmem:s6+$0x20] =	vst v12;
	v2 =	vld.idx.msk [tilespmem:v15+s28+$0x0], $0xffff  }
0x199: {  	v63 =	vld.idx.msk [tilespmem:v16+s28+$0x0], $0xffff;
	[tilespmem:s6+$0xFFFFFFE0] =	vst v13  }
0x19a: {  	[tilespmem:s6+$0x0] =	vst v14;
	v3 =	vld.idx.msk [tilespmem:v3+s28+$0x0], $0xffff  }
0x19b: {  	[tilespmem:s6+$0xFFFFFFF0] =	vst v5;
	v4 =	vld.idx.msk [tilespmem:v4+s28+$0x0], $0xffff  }
0x19c: {  	s17 =	sadd.s32 $0x50, s6;
	s18 =	sshll.u32 s13, $0x3;
	[tilespmem:s6+$0x10] =	vst v6;
	v5 =	vld.idx.msk [tilespmem:v62+s28+$0x0], $0xffff  }
0x19d: {  	s6 =	sadd.s32 s5, s18;
	[tilespmem:s17+$0x20] =	vst v2  }
0x19e: {  	s6 =	smul.u32 $0x32, s6;
	[tilespmem:s17+$0xFFFFFFE0] =	vst v63  }
0x19f: {  	s11 =	sadd.s32 $0x1, s11;
	[tilespmem:s17+$0x0] =	vst v3  }
0x1a0: {  	p0 =	sne.s32 s11, $0x20;
	s6 =	sshrl.u32 s6, $0x3;
	[tilespmem:s17+$0xFFFFFFF0] =	vst v4  }
.Ltmp6:
0x1a1: {  	s19 =	sadd.s32 s4, s6;
	[tilespmem:s17+$0x10] =	vst v5;
	(pc) =	sbr.rel @p0 .LBB2_2-.Ltmp6, $4  }
0x1a2: {  	[hbm4b:s19+s2] =	stream.linear.scatter [tilespmem:s29], [sflag:$0x5], $0x190, $0x38;
	[tilespmem:$0x14EA0] =	vst v63  }
0x1a3: {  	v2 =	vadd.f32 v11, v7;
	v3 =	vadd.f32 v8, v9;
	_ =	swait.ge [sflag:s10], $0x190  }
0x1a4: {  	[sflag:s10] =	ssyncset.done $0x0  }
0x1a5: {  	v6 =	vadd.f32 v3, v2;
	[sflag:s10] =	ssyncadd.s32 $0xFFFFFE70  }
0x1a6: {  	v1 =	vmul.f32 $5.000000000e+01, v1;
	_ =	sdelay $0x1  }
0x1a7: {  	s0 =	sadd.s32 $0x1, s0;
	v1 =	vadd.f32 v1, v6  }
0x1a8: {  	p0 =	sne.s32 s0, s9  }
.Ltmp7:
0x1a9: {  	s1 =	rddreg [dreg:$0x4];
	s6 =	simm.s32 $0x14E90;
	[tilespmem:$0x14E90] =	vst v1;
	(pc) =	sbr.rel @p0 .LBB2_1-.Ltmp7, $4  }
0x1aa: {  	[hbm4b:s1+s2] =	stream.linear.scatter [tilespmem:s6], [sflag:$0x5], $0x10, $0x38;
	[tilespmem:$0x14EA0] =	vst v63  }
0x1ab: {  	_ =	swait.ge [sflag:s10], $0x10  }
0x1ac: {  	[sflag:s10] =	ssyncset.done $0x0  }
0x1ad: {  	[sflag:s10] =	ssyncadd.s32 $0xFFFFFFF0  }
0x1ae: {  	_ =	sfence.sel $0x180000  }
0x1af: {  	[bflag:$0x0] =	sbarrier.arrive $0xFFFF  }
0x1b0: {  	_ =	strace $0x9000004A  }
0x1b1: {  	s0 =	stileid.u32;
	[bflag:$0x2] =	sbarrier.arrive $0xFFFF  }
0x1b2: {  	p0 =	sne.s32 s0, $0x0;
	s0 =	rddreg [dreg:$0x2]  }
0x1b3: {  	s0 =	sadd.s32 @!p0 $0x100000, s0  }
0x1b4: {  	[sflag:s0] =	ssyncadd.tile.s32 @!p0 $0x1;
	_ =	shalt  }
.Lfunc_end2:
_tile_overlayer_lowered:
.L_overlay_start_2:
0x1b5: {  	(tag) =	ssettag $0x2  }
0x1b6: {  	s0 =	rddreg [dreg:$0x0];
	s2 =	stileid.u32  }
0x1b7: {  	s1 =	rddreg [dreg:$0x1];
	p0 =	sne.s32 s2, $0x0  }
0x1b8: {  	s3 =	rddreg [dreg:$0x2];
	[bflag:$0x3] =	sbarrier.arrive $0xFFFF;
	s2 =	simm.s32 @!p0 $0x1C05  }
0x1b9: {  	[timem:s3], [sflag:s2] =	dma.local @!p0 [hbm:s0], s1  }
0x1ba: {  	s0 =	simm.s32 @!p0 $0x5  }
0x1bb: {  	_ =	swait.ge @!p0 [sflag:s0], s1  }
0x1bc: {  	s1 =	ssub.s32 @!p0 $0x0, s1;
	[sflag:s0] =	ssyncset.done @!p0 $0x0  }
0x1bd: {  	[sflag:s0] =	ssyncadd.s32 @!p0 s1  }
0x1be: {  	[bflag:$0x3] =	sbarrier.arrive $0xFFFF  }
0x1bf: {  	_ =	shalt  }

</sc_bundles>
